<compile_context>
chip_gen: v7x
topology: tpu7x:2x2x1
jax: 0.10.2.dev20260603
libtpu: 0.0.44.dev20260713+nightly
codegen_flags: <defaults>
</compile_context>

<pallas_src>
import jax
import jax.numpy as jnp
from jax import lax
from jax.experimental import pallas as pl
from jax.experimental.pallas import tpu as pltpu
from jax.experimental.pallas import tpu_sc as plsc

N_NODES = 10000
DIM = 128
N_PAD = 10240
BM = 512
NC, NS = 2, 16
NW = NC * NS
CH = 128
E_PAD = 163840
EPW = E_PAD // NW
NCH = EPW // CH
RPS = N_PAD // NS

_f32 = jnp.float32



def _mlp_block(x_ref, w1_ref, w2_ref, y_ref):
    h = jnp.maximum(
        jnp.dot(x_ref[...], w1_ref[...], preferred_element_type=_f32), 0.0)
    y_ref[...] = jnp.dot(h, w2_ref[...], preferred_element_type=_f32)


def _combine_mlp_block(x_ref, sums_ref, cnt_ref, w1_ref, w2_ref,
                       data_ref, y_ref):
    cnt = cnt_ref[0] + cnt_ref[1]
    sums = sums_ref[0] + sums_ref[1]
    mean = sums / jnp.maximum(cnt, 1.0)
    data = jnp.where(cnt > 0, mean, x_ref[...])
    data_ref[...] = data
    h = jnp.maximum(jnp.dot(data, w1_ref[...], preferred_element_type=_f32),
                    0.0)
    y_ref[...] = jnp.dot(h, w2_ref[...], preferred_element_type=_f32)


def _combine_block(x_ref, sums_ref, cnt_ref, data_ref):
    cnt = cnt_ref[0] + cnt_ref[1]
    sums = sums_ref[0] + sums_ref[1]
    mean = sums / jnp.maximum(cnt, 1.0)
    data_ref[...] = jnp.where(cnt > 0, mean, x_ref[...])


_x_spec = pl.BlockSpec((BM, DIM), lambda i: (i, 0))
_w1_spec = pl.BlockSpec((DIM, 256), lambda i: (0, 0))
_w2_spec = pl.BlockSpec((256, DIM), lambda i: (0, 0))
_sums_spec = pl.BlockSpec((NC, BM, DIM), lambda i: (0, i, 0))
_cnt_spec = pl.BlockSpec((NC, BM, 1), lambda i: (0, i, 0))
_GRID = (N_PAD // BM,)


def _mlp(x, w1, w2):
    return pl.pallas_call(
        _mlp_block,
        grid=_GRID,
        in_specs=[_x_spec, _w1_spec, _w2_spec],
        out_specs=_x_spec,
        out_shape=jax.ShapeDtypeStruct((N_PAD, DIM), _f32),
    )(x, w1, w2)


def _combine_mlp(x, sums_p, cnt_p, w1, w2):
    return pl.pallas_call(
        _combine_mlp_block,
        grid=_GRID,
        in_specs=[_x_spec, _sums_spec, _cnt_spec, _w1_spec, _w2_spec],
        out_specs=[_x_spec, _x_spec],
        out_shape=[jax.ShapeDtypeStruct((N_PAD, DIM), _f32),
                   jax.ShapeDtypeStruct((N_PAD, DIM), _f32)],
    )(x, sums_p, cnt_p, w1, w2)


def _combine(x, sums_p, cnt_p):
    return pl.pallas_call(
        _combine_block,
        grid=_GRID,
        in_specs=[_x_spec, _sums_spec, _cnt_spec],
        out_specs=_x_spec,
        out_shape=jax.ShapeDtypeStruct((N_PAD, DIM), _f32),
    )(x, sums_p, cnt_p)


CNT_R = N_PAD // 8


def _sc_body(y_hbm, src_hbm, dst_hbm, div_hbm, mod_hbm, nid_hbm, zb_hbm,
             oh_hbm, sums_out, cnt_out,
             acc_sh, cnt_sh, src_idx, dst_idx, div_idx, mod_idx, rows,
             ohrows, sem, sem2):
    c = lax.axis_index("c")
    s = lax.axis_index("s")
    pltpu.sync_copy(zb_hbm, rows)

    @pl.loop(0, RPS // CH)
    def _init(j):
        off = s * RPS + j * CH
        pltpu.sync_copy(nid_hbm.at[pl.ds(off, CH)], dst_idx)
        pltpu.sync_copy(rows, acc_sh.at[dst_idx])

    @pl.loop(0, CNT_R // CH)
    def _initc(j):
        pltpu.sync_copy(nid_hbm.at[pl.ds(j * CH, CH)], dst_idx)
        pltpu.sync_copy(rows, cnt_sh.at[dst_idx])

    plsc.subcore_barrier()

    base = (c * NS + s) * EPW

    @pl.loop(0, NCH)
    def _step(i):
        off = base + i * CH
        pltpu.sync_copy(src_hbm.at[pl.ds(off, CH)], src_idx)
        pltpu.sync_copy(dst_hbm.at[pl.ds(off, CH)], dst_idx)
        pltpu.sync_copy(div_hbm.at[pl.ds(off, CH)], div_idx)
        pltpu.sync_copy(mod_hbm.at[pl.ds(off, CH)], mod_idx)
        ga = pltpu.async_copy(y_hbm.at[src_idx], rows, sem)
        gb = pltpu.async_copy(oh_hbm.at[mod_idx], ohrows, sem2)
        ga.wait()
        gb.wait()
        sa = pltpu.async_copy(rows, acc_sh.at[dst_idx], sem, add=True)
        sb = pltpu.async_copy(ohrows, cnt_sh.at[div_idx], sem2, add=True)
        sa.wait()
        sb.wait()

    plsc.subcore_barrier()

    @pl.loop(0, RPS // CH)
    def _out(j):
        off = s * RPS + j * CH
        pltpu.sync_copy(nid_hbm.at[pl.ds(off, CH)], dst_idx)
        pltpu.async_copy(acc_sh.at[dst_idx], rows, sem).wait()
        pltpu.sync_copy(rows, sums_out.at[pl.ds(c * N_PAD + off, CH)])

    @pl.loop(0, CNT_R // CH)
    def _outc(j):
        pltpu.sync_copy(nid_hbm.at[pl.ds(j * CH, CH)], dst_idx)
        pltpu.async_copy(cnt_sh.at[dst_idx], rows, sem).wait()
        pltpu.sync_copy(rows, cnt_out.at[pl.ds(c * CNT_R + j * CH, CH)])


def _sc_scatter(y, src, dst, dst_div, dst_mod, nid, zb, onehot):
    mesh = plsc.VectorSubcoreMesh(core_axis_name="c", subcore_axis_name="s")
    fn = pl.kernel(
        _sc_body,
        out_type=[jax.ShapeDtypeStruct((NC * N_PAD, DIM), _f32),
                  jax.ShapeDtypeStruct((NC * CNT_R, DIM), _f32)],
        mesh=mesh,
        scratch_types=[
            pltpu.VMEM_SHARED((N_PAD, DIM), _f32),
            pltpu.VMEM_SHARED((CNT_R, DIM), _f32),
            pltpu.VMEM((CH,), jnp.int32),
            pltpu.VMEM((CH,), jnp.int32),
            pltpu.VMEM((CH,), jnp.int32),
            pltpu.VMEM((CH,), jnp.int32),
            pltpu.VMEM((CH, DIM), _f32),
            pltpu.VMEM((CH, DIM), _f32),
            pltpu.SemaphoreType.DMA,
            pltpu.SemaphoreType.DMA,
        ],
    )
    sums_flat, cnt_flat = fn(y, src, dst, dst_div, dst_mod, nid, zb, onehot)
    counts = cnt_flat.reshape(NC, CNT_R, DIM)[:, :, :8].reshape(NC, N_PAD, 1)
    return sums_flat.reshape(NC, N_PAD, DIM), counts



def kernel(x, edge_index_et0, edge_index_et1, W1_et0, W2_et0, W1_et1, W2_et1):
    x_pad = jnp.pad(x, ((0, N_PAD - N_NODES), (0, 0)))
    n_extra = E_PAD - edge_index_et0.shape[1]
    pad_rows = (N_NODES + jnp.arange(n_extra, dtype=jnp.int32)
                % (N_PAD - N_NODES))
    def _split(ei):
        src = jnp.concatenate([ei[0].astype(jnp.int32), pad_rows])
        dst = jnp.concatenate([ei[1].astype(jnp.int32), pad_rows])
        return src, dst, dst >> 3, dst & 7
    src0, dst0, div0, mod0 = _split(edge_index_et0)
    src1, dst1, div1, mod1 = _split(edge_index_et1)

    nid = jnp.arange(N_PAD, dtype=jnp.int32)
    zb = jnp.zeros((CH, DIM), _f32)
    onehot = (jnp.arange(8)[:, None] == jnp.arange(DIM)[None, :]).astype(_f32)

    y0 = _mlp(x_pad, W1_et0, W2_et0)
    sums0, cnt0 = _sc_scatter(y0, src0, dst0, div0, mod0, nid, zb, onehot)
    data1, y1 = _combine_mlp(x_pad, sums0, cnt0, W1_et1, W2_et1)
    sums1, cnt1 = _sc_scatter(y1, src1, dst1, div1, mod1, nid, zb, onehot)
    data2 = _combine(data1, sums1, cnt1)
    return data2[:N_NODES]

# --- scband reference (transcript-rebuilt; emitter-appended) ---
"""Pipeline reference for scband-mlpgnn-48902497632703 (READ-ONLY COPY).

The authoritative reference and input builder live on the scoring server;
editing this copy changes nothing except your own understanding.
"""

import jax, jax.numpy as jnp
import numpy as np

N_NODES = 10000
N_EDGES = 160000
DIM_IN = 128
DIM_INNER = 256
DIM_OUT = 128


def setup_inputs(seed: int = 0) -> dict:
    key = jax.random.key(seed)
    k = jax.random.split(key, 8)
    x = jax.random.normal(k[0], (N_NODES, DIM_IN), dtype=jnp.float32)
    edge_index_et0 = jax.random.randint(k[1], (2, N_EDGES), 0, N_NODES, dtype=jnp.int64 if jax.config.jax_enable_x64 else jnp.int32)
    edge_index_et1 = jax.random.randint(k[2], (2, N_EDGES), 0, N_NODES, dtype=jnp.int64 if jax.config.jax_enable_x64 else jnp.int32)
    # Per-edge-type MLP weights: Linear(dim_in, dim_inner, bias=False) -> ReLU -> Linear(dim_inner, dim_out, bias=False)
    s1 = 1.0 / np.sqrt(DIM_IN)
    s2 = 1.0 / np.sqrt(DIM_INNER)
    W1_et0 = jax.random.uniform(k[3], (DIM_IN, DIM_INNER), dtype=jnp.float32, minval=-s1, maxval=s1)
    W2_et0 = jax.random.uniform(k[4], (DIM_INNER, DIM_OUT), dtype=jnp.float32, minval=-s2, maxval=s2)
    W1_et1 = jax.random.uniform(k[5], (DIM_IN, DIM_INNER), dtype=jnp.float32, minval=-s1, maxval=s1)
    W2_et1 = jax.random.uniform(k[6], (DIM_INNER, DIM_OUT), dtype=jnp.float32, minval=-s2, maxval=s2)
    return {
        "x": x,
        "edge_index_et0": edge_index_et0,
        "edge_index_et1": edge_index_et1,
        "W1_et0": W1_et0,
        "W2_et0": W2_et0,
        "W1_et1": W1_et1,
        "W2_et1": W2_et1,
    }


def _update_all(data, edge_index, W1, W2, n_nodes):
    # message_func: MLP applied to source node features
    src = edge_index[0]
    dst = edge_index[1]
    h = jnp.take(data, src, axis=0)           # gather src features [E, dim_in]
    h = jax.nn.relu(h @ W1)                   # [E, dim_inner]
    m = h @ W2                                # [E, dim_out]
    # reduce_func: mean over mailbox per destination node (scatter-add + count)
    sums = jax.ops.segment_sum(m, dst, num_segments=n_nodes)
    counts = jax.ops.segment_sum(jnp.ones((m.shape[0],), dtype=m.dtype), dst, num_segments=n_nodes)
    mean = sums / jnp.maximum(counts, 1.0)[:, None]
    # DGL only updates nodes that received messages for this etype
    has_msg = (counts > 0)[:, None]
    return jnp.where(has_msg, mean, data)


def reference(x, edge_index_et0, edge_index_et1, W1_et0, W2_et0, W1_et1, W2_et1):
    n_nodes = x.shape[0]
    data = x
    # sequential update_all over edge types, as in the torch forward loop
    data = _update_all(data, edge_index_et0, W1_et0, W2_et0, n_nodes)
    data = _update_all(data, edge_index_et1, W1_et1, W2_et1, n_nodes)
    return data

if __name__ == "__main__":
    import jax
    _d = setup_inputs()
    print(jax.jit(kernel)(*tuple(_d.values())))

</pallas_src>

<mosaic_0001>
#map = affine_map<(d0, d1) -> (0, 0)>
#map1 = affine_map<(d0, d1) -> (0)>
module attributes {stable_mosaic.version = 14 : i64} {
  func.func @_sc_body(%arg0: i32, %arg1: i32, %arg2: memref<10240x128xf32, #tpu.memory_space<hbm>>, %arg3: memref<163840xi32, #tpu.memory_space<hbm>>, %arg4: memref<163840xi32, #tpu.memory_space<hbm>>, %arg5: memref<163840xi32, #tpu.memory_space<hbm>>, %arg6: memref<163840xi32, #tpu.memory_space<hbm>>, %arg7: memref<10240xi32, #tpu.memory_space<hbm>>, %arg8: memref<128x128xf32, #tpu.memory_space<hbm>>, %arg9: memref<8x128xf32, #tpu.memory_space<hbm>>, %arg10: memref<20480x128xf32, #tpu.memory_space<hbm>>, %arg11: memref<2560x128xf32, #tpu.memory_space<hbm>>, %arg12: memref<10240x128xf32, #tpu.memory_space<vmem_shared>>, %arg13: memref<1280x128xf32, #tpu.memory_space<vmem_shared>>, %arg14: memref<128xi32, #tpu.memory_space<vmem>>, %arg15: memref<128xi32, #tpu.memory_space<vmem>>, %arg16: memref<128xi32, #tpu.memory_space<vmem>>, %arg17: memref<128xi32, #tpu.memory_space<vmem>>, %arg18: memref<128x128xf32, #tpu.memory_space<vmem>>, %arg19: memref<128x128xf32, #tpu.memory_space<vmem>>, %arg20: memref<!tpu.dma_semaphore, #tpu.memory_space<semaphore_mem>>, %arg21: memref<!tpu.dma_semaphore, #tpu.memory_space<semaphore_mem>>) attributes {dimension_semantics = [#tpu.dimension_semantics<core_parallel>, #tpu.dimension_semantics<subcore_parallel>], iteration_bounds = array<i64: 2, 16>, scalar_prefetch = 0 : i64, scratch_operands = 10 : i64, tpu.core_type = #tpu.core_type<sc_vector_subcore>, window_params = [{transform_indices = #map}, {transform_indices = #map1}, {transform_indices = #map1}, {transform_indices = #map1}, {transform_indices = #map1}, {transform_indices = #map1}, {transform_indices = #map}, {transform_indices = #map}, {transform_indices = #map}, {transform_indices = #map}]} {
    "tpu.region"() ({
      %run_scoped3A = tpu.sem_alloc : memref<!tpu.dma_semaphore, #tpu.memory_space<semaphore_mem>>
      tpu.enqueue_dma source(%arg8 : memref<128x128xf32, #tpu.memory_space<hbm>>) target(%arg18 : memref<128x128xf32, #tpu.memory_space<vmem>>) target_semaphore(%run_scoped3A : memref<!tpu.dma_semaphore, #tpu.memory_space<semaphore_mem>>)
      tpu.wait_dma2 semaphore(%run_scoped3A : memref<!tpu.dma_semaphore, #tpu.memory_space<semaphore_mem>>) src(%arg8 : memref<128x128xf32, #tpu.memory_space<hbm>>) dst(%arg18 : memref<128x128xf32, #tpu.memory_space<vmem>>)
      tpu.yield
    }) : () -> ()
    %scan3A = arith.constant 0 : i32
    %scan3A_0 = arith.constant 5 : i32
    %scan3A_1 = arith.addi %scan3A, %scan3A_0 : i32
    %scan3A_2 = arith.constant 1 : i32
    scf.for %scan3A_28 = %scan3A to %scan3A_1 step %scan3A_2  : i32 {
      %mul3A_29 = arith.constant 1 : i32
      %mul3A_30 = arith.muli %scan3A_28, %mul3A_29 : i32
      %add3A_31 = arith.constant 0 : i32
      %add3A_32 = arith.addi %add3A_31, %mul3A_30 : i32
      %mul3A_33 = arith.constant 640 : i32
      %mul3A_34 = arith.muli %arg1, %mul3A_33 : i32
      %mul3A_35 = arith.constant 128 : i32
      %mul3A_36 = arith.muli %add3A_32, %mul3A_35 : i32
      %add3A_37 = arith.addi %mul3A_34, %mul3A_36 : i32
      "tpu.region"() ({
        %run_scoped3A = tpu.sem_alloc : memref<!tpu.dma_semaphore, #tpu.memory_space<semaphore_mem>>
        %dma_start3A = tpu.memref_slice %arg7[%add3A_37] : memref<10240xi32, #tpu.memory_space<hbm>> -> memref<128xi32, #tpu.memory_space<hbm>>
        %dma_start3A_38 = tpu.memref_slice %arg7[%add3A_37] : memref<10240xi32, #tpu.memory_space<hbm>> -> memref<128xi32, #tpu.memory_space<hbm>>
        tpu.enqueue_dma source(%dma_start3A_38 : memref<128xi32, #tpu.memory_space<hbm>>) target(%arg15 : memref<128xi32, #tpu.memory_space<vmem>>) target_semaphore(%run_scoped3A : memref<!tpu.dma_semaphore, #tpu.memory_space<semaphore_mem>>)
        %dma_wait3A = tpu.memref_slice %arg7[%add3A_37] : memref<10240xi32, #tpu.memory_space<hbm>> -> memref<128xi32, #tpu.memory_space<hbm>>
        %dma_wait3A_39 = tpu.memref_slice %arg7[%add3A_37] : memref<10240xi32, #tpu.memory_space<hbm>> -> memref<128xi32, #tpu.memory_space<hbm>>
        tpu.wait_dma2 semaphore(%run_scoped3A : memref<!tpu.dma_semaphore, #tpu.memory_space<semaphore_mem>>) src(%dma_wait3A_39 : memref<128xi32, #tpu.memory_space<hbm>>) dst(%arg15 : memref<128xi32, #tpu.memory_space<vmem>>)
        tpu.yield
      }) : () -> ()
      "tpu.region"() ({
        %run_scoped3A = tpu.sem_alloc : memref<!tpu.dma_semaphore, #tpu.memory_space<semaphore_mem>>
        %dma_start3A = arith.constant 0 : i32
        %dma_start3A_38 = arith.constant 0 : i32
        %dma_start3A_39 = tpu.memref_slice %arg12[%dma_start3A, %dma_start3A_38] : memref<10240x128xf32, #tpu.memory_space<vmem_shared>> -> memref<10240x128xf32, #tpu.memory_space<vmem_shared>>
        tpu.enqueue_indirect_dma source(%arg18 : memref<128x128xf32, #tpu.memory_space<vmem>>) target(%dma_start3A_39 : memref<10240x128xf32, #tpu.memory_space<vmem_shared>>) offsets(%arg15 : memref<128xi32, #tpu.memory_space<vmem>>) semaphore(%run_scoped3A : memref<!tpu.dma_semaphore, #tpu.memory_space<semaphore_mem>>)
        %dma_wait3A = arith.constant 0 : i32
        %dma_wait3A_40 = arith.constant 0 : i32
        %dma_wait3A_41 = tpu.memref_slice %arg12[%dma_wait3A, %dma_wait3A_40] : memref<10240x128xf32, #tpu.memory_space<vmem_shared>> -> memref<10240x128xf32, #tpu.memory_space<vmem_shared>>
        tpu.wait_indirect_dma semaphore(%run_scoped3A : memref<!tpu.dma_semaphore, #tpu.memory_space<semaphore_mem>>) src(%arg18 : memref<128x128xf32, #tpu.memory_space<vmem>>) dst(%dma_wait3A_41 : memref<10240x128xf32, #tpu.memory_space<vmem_shared>>)
        tpu.yield
      }) : () -> ()
    }
    %scan3A_3 = arith.constant 5 : i32
    %scan3A_4 = arith.constant 0 : i32
    %scan3A_5 = arith.constant 10 : i32
    %scan3A_6 = arith.addi %scan3A_4, %scan3A_5 : i32
    %scan3A_7 = arith.constant 1 : i32
    scf.for %scan3A_28 = %scan3A_4 to %scan3A_6 step %scan3A_7  : i32 {
      %mul3A_29 = arith.constant 1 : i32
      %mul3A_30 = arith.muli %scan3A_28, %mul3A_29 : i32
      %add3A_31 = arith.constant 0 : i32
      %add3A_32 = arith.addi %add3A_31, %mul3A_30 : i32
      %mul3A_33 = arith.constant 128 : i32
      %mul3A_34 = arith.muli %add3A_32, %mul3A_33 : i32
      "tpu.region"() ({
        %run_scoped3A = tpu.sem_alloc : memref<!tpu.dma_semaphore, #tpu.memory_space<semaphore_mem>>
        %dma_start3A = tpu.memref_slice %arg7[%mul3A_34] : memref<10240xi32, #tpu.memory_space<hbm>> -> memref<128xi32, #tpu.memory_space<hbm>>
        %dma_start3A_35 = tpu.memref_slice %arg7[%mul3A_34] : memref<10240xi32, #tpu.memory_space<hbm>> -> memref<128xi32, #tpu.memory_space<hbm>>
        tpu.enqueue_dma source(%dma_start3A_35 : memref<128xi32, #tpu.memory_space<hbm>>) target(%arg15 : memref<128xi32, #tpu.memory_space<vmem>>) target_semaphore(%run_scoped3A : memref<!tpu.dma_semaphore, #tpu.memory_space<semaphore_mem>>)
        %dma_wait3A = tpu.memref_slice %arg7[%mul3A_34] : memref<10240xi32, #tpu.memory_space<hbm>> -> memref<128xi32, #tpu.memory_space<hbm>>
        %dma_wait3A_36 = tpu.memref_slice %arg7[%mul3A_34] : memref<10240xi32, #tpu.memory_space<hbm>> -> memref<128xi32, #tpu.memory_space<hbm>>
        tpu.wait_dma2 semaphore(%run_scoped3A : memref<!tpu.dma_semaphore, #tpu.memory_space<semaphore_mem>>) src(%dma_wait3A_36 : memref<128xi32, #tpu.memory_space<hbm>>) dst(%arg15 : memref<128xi32, #tpu.memory_space<vmem>>)
        tpu.yield
      }) : () -> ()
      "tpu.region"() ({
        %run_scoped3A = tpu.sem_alloc : memref<!tpu.dma_semaphore, #tpu.memory_space<semaphore_mem>>
        %dma_start3A = arith.constant 0 : i32
        %dma_start3A_35 = arith.constant 0 : i32
        %dma_start3A_36 = tpu.memref_slice %arg13[%dma_start3A, %dma_start3A_35] : memref<1280x128xf32, #tpu.memory_space<vmem_shared>> -> memref<1280x128xf32, #tpu.memory_space<vmem_shared>>
        tpu.enqueue_indirect_dma source(%arg18 : memref<128x128xf32, #tpu.memory_space<vmem>>) target(%dma_start3A_36 : memref<1280x128xf32, #tpu.memory_space<vmem_shared>>) offsets(%arg15 : memref<128xi32, #tpu.memory_space<vmem>>) semaphore(%run_scoped3A : memref<!tpu.dma_semaphore, #tpu.memory_space<semaphore_mem>>)
        %dma_wait3A = arith.constant 0 : i32
        %dma_wait3A_37 = arith.constant 0 : i32
        %dma_wait3A_38 = tpu.memref_slice %arg13[%dma_wait3A, %dma_wait3A_37] : memref<1280x128xf32, #tpu.memory_space<vmem_shared>> -> memref<1280x128xf32, #tpu.memory_space<vmem_shared>>
        tpu.wait_indirect_dma semaphore(%run_scoped3A : memref<!tpu.dma_semaphore, #tpu.memory_space<semaphore_mem>>) src(%arg18 : memref<128x128xf32, #tpu.memory_space<vmem>>) dst(%dma_wait3A_38 : memref<1280x128xf32, #tpu.memory_space<vmem_shared>>)
        tpu.yield
      }) : () -> ()
    }
    %scan3A_8 = arith.constant 10 : i32
    %barrier3A = arith.constant 0 : index
    tpu.barrier barrier_id(%barrier3A)
    %mul3A = arith.constant 16 : i32
    %mul3A_9 = arith.muli %arg0, %mul3A : i32
    %add3A = arith.addi %mul3A_9, %arg1 : i32
    %mul3A_10 = arith.constant 5120 : i32
    %mul3A_11 = arith.muli %add3A, %mul3A_10 : i32
    %scan3A_12 = arith.constant 0 : i32
    %scan3A_13 = arith.constant 40 : i32
    %scan3A_14 = arith.addi %scan3A_12, %scan3A_13 : i32
    %scan3A_15 = arith.constant 1 : i32
    scf.for %scan3A_28 = %scan3A_12 to %scan3A_14 step %scan3A_15  : i32 {
      %mul3A_29 = arith.constant 1 : i32
      %mul3A_30 = arith.muli %scan3A_28, %mul3A_29 : i32
      %add3A_31 = arith.constant 0 : i32
      %add3A_32 = arith.addi %add3A_31, %mul3A_30 : i32
      %mul3A_33 = arith.constant 128 : i32
      %mul3A_34 = arith.muli %add3A_32, %mul3A_33 : i32
      %add3A_35 = arith.addi %mul3A_11, %mul3A_34 : i32
      "tpu.region"() ({
        %run_scoped3A = tpu.sem_alloc : memref<!tpu.dma_semaphore, #tpu.memory_space<semaphore_mem>>
        %dma_start3A_58 = tpu.memref_slice %arg3[%add3A_35] : memref<163840xi32, #tpu.memory_space<hbm>> -> memref<128xi32, #tpu.memory_space<hbm>>
        %dma_start3A_59 = tpu.memref_slice %arg3[%add3A_35] : memref<163840xi32, #tpu.memory_space<hbm>> -> memref<128xi32, #tpu.memory_space<hbm>>
        tpu.enqueue_dma source(%dma_start3A_59 : memref<128xi32, #tpu.memory_space<hbm>>) target(%arg14 : memref<128xi32, #tpu.memory_space<vmem>>) target_semaphore(%run_scoped3A : memref<!tpu.dma_semaphore, #tpu.memory_space<semaphore_mem>>)
        %dma_wait3A_60 = tpu.memref_slice %arg3[%add3A_35] : memref<163840xi32, #tpu.memory_space<hbm>> -> memref<128xi32, #tpu.memory_space<hbm>>
        %dma_wait3A_61 = tpu.memref_slice %arg3[%add3A_35] : memref<163840xi32, #tpu.memory_space<hbm>> -> memref<128xi32, #tpu.memory_space<hbm>>
        tpu.wait_dma2 semaphore(%run_scoped3A : memref<!tpu.dma_semaphore, #tpu.memory_space<semaphore_mem>>) src(%dma_wait3A_61 : memref<128xi32, #tpu.memory_space<hbm>>) dst(%arg14 : memref<128xi32, #tpu.memory_space<vmem>>)
        tpu.yield
      }) : () -> ()
      "tpu.region"() ({
        %run_scoped3A = tpu.sem_alloc : memref<!tpu.dma_semaphore, #tpu.memory_space<semaphore_mem>>
        %dma_start3A_58 = tpu.memref_slice %arg4[%add3A_35] : memref<163840xi32, #tpu.memory_space<hbm>> -> memref<128xi32, #tpu.memory_space<hbm>>
        %dma_start3A_59 = tpu.memref_slice %arg4[%add3A_35] : memref<163840xi32, #tpu.memory_space<hbm>> -> memref<128xi32, #tpu.memory_space<hbm>>
        tpu.enqueue_dma source(%dma_start3A_59 : memref<128xi32, #tpu.memory_space<hbm>>) target(%arg15 : memref<128xi32, #tpu.memory_space<vmem>>) target_semaphore(%run_scoped3A : memref<!tpu.dma_semaphore, #tpu.memory_space<semaphore_mem>>)
        %dma_wait3A_60 = tpu.memref_slice %arg4[%add3A_35] : memref<163840xi32, #tpu.memory_space<hbm>> -> memref<128xi32, #tpu.memory_space<hbm>>
        %dma_wait3A_61 = tpu.memref_slice %arg4[%add3A_35] : memref<163840xi32, #tpu.memory_space<hbm>> -> memref<128xi32, #tpu.memory_space<hbm>>
        tpu.wait_dma2 semaphore(%run_scoped3A : memref<!tpu.dma_semaphore, #tpu.memory_space<semaphore_mem>>) src(%dma_wait3A_61 : memref<128xi32, #tpu.memory_space<hbm>>) dst(%arg15 : memref<128xi32, #tpu.memory_space<vmem>>)
        tpu.yield
      }) : () -> ()
      "tpu.region"() ({
        %run_scoped3A = tpu.sem_alloc : memref<!tpu.dma_semaphore, #tpu.memory_space<semaphore_mem>>
        %dma_start3A_58 = tpu.memref_slice %arg5[%add3A_35] : memref<163840xi32, #tpu.memory_space<hbm>> -> memref<128xi32, #tpu.memory_space<hbm>>
        %dma_start3A_59 = tpu.memref_slice %arg5[%add3A_35] : memref<163840xi32, #tpu.memory_space<hbm>> -> memref<128xi32, #tpu.memory_space<hbm>>
        tpu.enqueue_dma source(%dma_start3A_59 : memref<128xi32, #tpu.memory_space<hbm>>) target(%arg16 : memref<128xi32, #tpu.memory_space<vmem>>) target_semaphore(%run_scoped3A : memref<!tpu.dma_semaphore, #tpu.memory_space<semaphore_mem>>)
        %dma_wait3A_60 = tpu.memref_slice %arg5[%add3A_35] : memref<163840xi32, #tpu.memory_space<hbm>> -> memref<128xi32, #tpu.memory_space<hbm>>
        %dma_wait3A_61 = tpu.memref_slice %arg5[%add3A_35] : memref<163840xi32, #tpu.memory_space<hbm>> -> memref<128xi32, #tpu.memory_space<hbm>>
        tpu.wait_dma2 semaphore(%run_scoped3A : memref<!tpu.dma_semaphore, #tpu.memory_space<semaphore_mem>>) src(%dma_wait3A_61 : memref<128xi32, #tpu.memory_space<hbm>>) dst(%arg16 : memref<128xi32, #tpu.memory_space<vmem>>)
        tpu.yield
      }) : () -> ()
      "tpu.region"() ({
        %run_scoped3A = tpu.sem_alloc : memref<!tpu.dma_semaphore, #tpu.memory_space<semaphore_mem>>
        %dma_start3A_58 = tpu.memref_slice %arg6[%add3A_35] : memref<163840xi32, #tpu.memory_space<hbm>> -> memref<128xi32, #tpu.memory_space<hbm>>
        %dma_start3A_59 = tpu.memref_slice %arg6[%add3A_35] : memref<163840xi32, #tpu.memory_space<hbm>> -> memref<128xi32, #tpu.memory_space<hbm>>
        tpu.enqueue_dma source(%dma_start3A_59 : memref<128xi32, #tpu.memory_space<hbm>>) target(%arg17 : memref<128xi32, #tpu.memory_space<vmem>>) target_semaphore(%run_scoped3A : memref<!tpu.dma_semaphore, #tpu.memory_space<semaphore_mem>>)
        %dma_wait3A_60 = tpu.memref_slice %arg6[%add3A_35] : memref<163840xi32, #tpu.memory_space<hbm>> -> memref<128xi32, #tpu.memory_space<hbm>>
        %dma_wait3A_61 = tpu.memref_slice %arg6[%add3A_35] : memref<163840xi32, #tpu.memory_space<hbm>> -> memref<128xi32, #tpu.memory_space<hbm>>
        tpu.wait_dma2 semaphore(%run_scoped3A : memref<!tpu.dma_semaphore, #tpu.memory_space<semaphore_mem>>) src(%dma_wait3A_61 : memref<128xi32, #tpu.memory_space<hbm>>) dst(%arg17 : memref<128xi32, #tpu.memory_space<vmem>>)
        tpu.yield
      }) : () -> ()
      %dma_start3A = arith.constant 0 : i32
      %dma_start3A_36 = arith.constant 0 : i32
      %dma_start3A_37 = tpu.memref_slice %arg2[%dma_start3A, %dma_start3A_36] : memref<10240x128xf32, #tpu.memory_space<hbm>> -> memref<10240x128xf32, #tpu.memory_space<hbm>>
      tpu.enqueue_indirect_dma source(%dma_start3A_37 : memref<10240x128xf32, #tpu.memory_space<hbm>>) target(%arg18 : memref<128x128xf32, #tpu.memory_space<vmem>>) offsets(%arg14 : memref<128xi32, #tpu.memory_space<vmem>>) semaphore(%arg20 : memref<!tpu.dma_semaphore, #tpu.memory_space<semaphore_mem>>)
      %dma_start3A_38 = arith.constant 0 : i32
      %dma_start3A_39 = arith.constant 0 : i32
      %dma_start3A_40 = tpu.memref_slice %arg9[%dma_start3A_38, %dma_start3A_39] : memref<8x128xf32, #tpu.memory_space<hbm>> -> memref<8x128xf32, #tpu.memory_space<hbm>>
      tpu.enqueue_indirect_dma source(%dma_start3A_40 : memref<8x128xf32, #tpu.memory_space<hbm>>) target(%arg19 : memref<128x128xf32, #tpu.memory_space<vmem>>) offsets(%arg17 : memref<128xi32, #tpu.memory_space<vmem>>) semaphore(%arg21 : memref<!tpu.dma_semaphore, #tpu.memory_space<semaphore_mem>>)
      %dma_wait3A = arith.constant 0 : i32
      %dma_wait3A_41 = arith.constant 0 : i32
      %dma_wait3A_42 = tpu.memref_slice %arg2[%dma_wait3A, %dma_wait3A_41] : memref<10240x128xf32, #tpu.memory_space<hbm>> -> memref<10240x128xf32, #tpu.memory_space<hbm>>
      tpu.wait_indirect_dma semaphore(%arg20 : memref<!tpu.dma_semaphore, #tpu.memory_space<semaphore_mem>>) src(%dma_wait3A_42 : memref<10240x128xf32, #tpu.memory_space<hbm>>) dst(%arg18 : memref<128x128xf32, #tpu.memory_space<vmem>>)
      %dma_wait3A_43 = arith.constant 0 : i32
      %dma_wait3A_44 = arith.constant 0 : i32
      %dma_wait3A_45 = tpu.memref_slice %arg9[%dma_wait3A_43, %dma_wait3A_44] : memref<8x128xf32, #tpu.memory_space<hbm>> -> memref<8x128xf32, #tpu.memory_space<hbm>>
      tpu.wait_indirect_dma semaphore(%arg21 : memref<!tpu.dma_semaphore, #tpu.memory_space<semaphore_mem>>) src(%dma_wait3A_45 : memref<8x128xf32, #tpu.memory_space<hbm>>) dst(%arg19 : memref<128x128xf32, #tpu.memory_space<vmem>>)
      %dma_start3A_46 = arith.constant 0 : i32
      %dma_start3A_47 = arith.constant 0 : i32
      %dma_start3A_48 = tpu.memref_slice %arg12[%dma_start3A_46, %dma_start3A_47] : memref<10240x128xf32, #tpu.memory_space<vmem_shared>> -> memref<10240x128xf32, #tpu.memory_space<vmem_shared>>
      tpu.enqueue_indirect_dma source(%arg18 : memref<128x128xf32, #tpu.memory_space<vmem>>) target(%dma_start3A_48 : memref<10240x128xf32, #tpu.memory_space<vmem_shared>>) offsets(%arg15 : memref<128xi32, #tpu.memory_space<vmem>>) semaphore(%arg20 : memref<!tpu.dma_semaphore, #tpu.memory_space<semaphore_mem>>) {add = true}
      %dma_start3A_49 = arith.constant 0 : i32
      %dma_start3A_50 = arith.constant 0 : i32
      %dma_start3A_51 = tpu.memref_slice %arg13[%dma_start3A_49, %dma_start3A_50] : memref<1280x128xf32, #tpu.memory_space<vmem_shared>> -> memref<1280x128xf32, #tpu.memory_space<vmem_shared>>
      tpu.enqueue_indirect_dma source(%arg19 : memref<128x128xf32, #tpu.memory_space<vmem>>) target(%dma_start3A_51 : memref<1280x128xf32, #tpu.memory_space<vmem_shared>>) offsets(%arg16 : memref<128xi32, #tpu.memory_space<vmem>>) semaphore(%arg21 : memref<!tpu.dma_semaphore, #tpu.memory_space<semaphore_mem>>) {add = true}
      %dma_wait3A_52 = arith.constant 0 : i32
      %dma_wait3A_53 = arith.constant 0 : i32
      %dma_wait3A_54 = tpu.memref_slice %arg12[%dma_wait3A_52, %dma_wait3A_53] : memref<10240x128xf32, #tpu.memory_space<vmem_shared>> -> memref<10240x128xf32, #tpu.memory_space<vmem_shared>>
      tpu.wait_indirect_dma semaphore(%arg20 : memref<!tpu.dma_semaphore, #tpu.memory_space<semaphore_mem>>) src(%arg18 : memref<128x128xf32, #tpu.memory_space<vmem>>) dst(%dma_wait3A_54 : memref<10240x128xf32, #tpu.memory_space<vmem_shared>>)
      %dma_wait3A_55 = arith.constant 0 : i32
      %dma_wait3A_56 = arith.constant 0 : i32
      %dma_wait3A_57 = tpu.memref_slice %arg13[%dma_wait3A_55, %dma_wait3A_56] : memref<1280x128xf32, #tpu.memory_space<vmem_shared>> -> memref<1280x128xf32, #tpu.memory_space<vmem_shared>>
      tpu.wait_indirect_dma semaphore(%arg21 : memref<!tpu.dma_semaphore, #tpu.memory_space<semaphore_mem>>) src(%arg19 : memref<128x128xf32, #tpu.memory_space<vmem>>) dst(%dma_wait3A_57 : memref<1280x128xf32, #tpu.memory_space<vmem_shared>>)
    }
    %scan3A_16 = arith.constant 40 : i32
    %barrier3A_17 = arith.constant 0 : index
    tpu.barrier barrier_id(%barrier3A_17)
    %scan3A_18 = arith.constant 0 : i32
    %scan3A_19 = arith.constant 5 : i32
    %scan3A_20 = arith.addi %scan3A_18, %scan3A_19 : i32
    %scan3A_21 = arith.constant 1 : i32
    scf.for %scan3A_28 = %scan3A_18 to %scan3A_20 step %scan3A_21  : i32 {
      %mul3A_29 = arith.constant 1 : i32
      %mul3A_30 = arith.muli %scan3A_28, %mul3A_29 : i32
      %add3A_31 = arith.constant 0 : i32
      %add3A_32 = arith.addi %add3A_31, %mul3A_30 : i32
      %mul3A_33 = arith.constant 640 : i32
      %mul3A_34 = arith.muli %arg1, %mul3A_33 : i32
      %mul3A_35 = arith.constant 128 : i32
      %mul3A_36 = arith.muli %add3A_32, %mul3A_35 : i32
      %add3A_37 = arith.addi %mul3A_34, %mul3A_36 : i32
      "tpu.region"() ({
        %run_scoped3A = tpu.sem_alloc : memref<!tpu.dma_semaphore, #tpu.memory_space<semaphore_mem>>
        %dma_start3A_45 = tpu.memref_slice %arg7[%add3A_37] : memref<10240xi32, #tpu.memory_space<hbm>> -> memref<128xi32, #tpu.memory_space<hbm>>
        %dma_start3A_46 = tpu.memref_slice %arg7[%add3A_37] : memref<10240xi32, #tpu.memory_space<hbm>> -> memref<128xi32, #tpu.memory_space<hbm>>
        tpu.enqueue_dma source(%dma_start3A_46 : memref<128xi32, #tpu.memory_space<hbm>>) target(%arg15 : memref<128xi32, #tpu.memory_space<vmem>>) target_semaphore(%run_scoped3A : memref<!tpu.dma_semaphore, #tpu.memory_space<semaphore_mem>>)
        %dma_wait3A_47 = tpu.memref_slice %arg7[%add3A_37] : memref<10240xi32, #tpu.memory_space<hbm>> -> memref<128xi32, #tpu.memory_space<hbm>>
        %dma_wait3A_48 = tpu.memref_slice %arg7[%add3A_37] : memref<10240xi32, #tpu.memory_space<hbm>> -> memref<128xi32, #tpu.memory_space<hbm>>
        tpu.wait_dma2 semaphore(%run_scoped3A : memref<!tpu.dma_semaphore, #tpu.memory_space<semaphore_mem>>) src(%dma_wait3A_48 : memref<128xi32, #tpu.memory_space<hbm>>) dst(%arg15 : memref<128xi32, #tpu.memory_space<vmem>>)
        tpu.yield
      }) : () -> ()
      %dma_start3A = arith.constant 0 : i32
      %dma_start3A_38 = arith.constant 0 : i32
      %dma_start3A_39 = tpu.memref_slice %arg12[%dma_start3A, %dma_start3A_38] : memref<10240x128xf32, #tpu.memory_space<vmem_shared>> -> memref<10240x128xf32, #tpu.memory_space<vmem_shared>>
      tpu.enqueue_indirect_dma source(%dma_start3A_39 : memref<10240x128xf32, #tpu.memory_space<vmem_shared>>) target(%arg18 : memref<128x128xf32, #tpu.memory_space<vmem>>) offsets(%arg15 : memref<128xi32, #tpu.memory_space<vmem>>) semaphore(%arg20 : memref<!tpu.dma_semaphore, #tpu.memory_space<semaphore_mem>>)
      %dma_wait3A = arith.constant 0 : i32
      %dma_wait3A_40 = arith.constant 0 : i32
      %dma_wait3A_41 = tpu.memref_slice %arg12[%dma_wait3A, %dma_wait3A_40] : memref<10240x128xf32, #tpu.memory_space<vmem_shared>> -> memref<10240x128xf32, #tpu.memory_space<vmem_shared>>
      tpu.wait_indirect_dma semaphore(%arg20 : memref<!tpu.dma_semaphore, #tpu.memory_space<semaphore_mem>>) src(%dma_wait3A_41 : memref<10240x128xf32, #tpu.memory_space<vmem_shared>>) dst(%arg18 : memref<128x128xf32, #tpu.memory_space<vmem>>)
      %mul3A_42 = arith.constant 10240 : i32
      %mul3A_43 = arith.muli %arg0, %mul3A_42 : i32
      %add3A_44 = arith.addi %mul3A_43, %add3A_37 : i32
      "tpu.region"() ({
        %run_scoped3A = tpu.sem_alloc : memref<!tpu.dma_semaphore, #tpu.memory_space<semaphore_mem>>
        %dma_start3A_45 = arith.constant 0 : i32
        %dma_start3A_46 = tpu.memref_slice %arg10[%add3A_44, %dma_start3A_45] : memref<20480x128xf32, #tpu.memory_space<hbm>> -> memref<128x128xf32, #tpu.memory_space<hbm>>
        %dma_start3A_47 = arith.constant 0 : i32
        %dma_start3A_48 = tpu.memref_slice %arg10[%add3A_44, %dma_start3A_47] : memref<20480x128xf32, #tpu.memory_space<hbm>> -> memref<128x128xf32, #tpu.memory_space<hbm>>
        tpu.enqueue_dma source(%arg18 : memref<128x128xf32, #tpu.memory_space<vmem>>) target(%dma_start3A_48 : memref<128x128xf32, #tpu.memory_space<hbm>>) target_semaphore(%run_scoped3A : memref<!tpu.dma_semaphore, #tpu.memory_space<semaphore_mem>>)
        %dma_wait3A_49 = arith.constant 0 : i32
        %dma_wait3A_50 = tpu.memref_slice %arg10[%add3A_44, %dma_wait3A_49] : memref<20480x128xf32, #tpu.memory_space<hbm>> -> memref<128x128xf32, #tpu.memory_space<hbm>>
        %dma_wait3A_51 = arith.constant 0 : i32
        %dma_wait3A_52 = tpu.memref_slice %arg10[%add3A_44, %dma_wait3A_51] : memref<20480x128xf32, #tpu.memory_space<hbm>> -> memref<128x128xf32, #tpu.memory_space<hbm>>
        tpu.wait_dma2 semaphore(%run_scoped3A : memref<!tpu.dma_semaphore, #tpu.memory_space<semaphore_mem>>) src(%arg18 : memref<128x128xf32, #tpu.memory_space<vmem>>) dst(%dma_wait3A_52 : memref<128x128xf32, #tpu.memory_space<hbm>>)
        tpu.yield
      }) : () -> ()
    }
    %scan3A_22 = arith.constant 5 : i32
    %scan3A_23 = arith.constant 0 : i32
    %scan3A_24 = arith.constant 10 : i32
    %scan3A_25 = arith.addi %scan3A_23, %scan3A_24 : i32
    %scan3A_26 = arith.constant 1 : i32
    scf.for %scan3A_28 = %scan3A_23 to %scan3A_25 step %scan3A_26  : i32 {
      %mul3A_29 = arith.constant 1 : i32
      %mul3A_30 = arith.muli %scan3A_28, %mul3A_29 : i32
      %add3A_31 = arith.constant 0 : i32
      %add3A_32 = arith.addi %add3A_31, %mul3A_30 : i32
      %mul3A_33 = arith.constant 128 : i32
      %mul3A_34 = arith.muli %add3A_32, %mul3A_33 : i32
      "tpu.region"() ({
        %run_scoped3A = tpu.sem_alloc : memref<!tpu.dma_semaphore, #tpu.memory_space<semaphore_mem>>
        %dma_start3A_44 = tpu.memref_slice %arg7[%mul3A_34] : memref<10240xi32, #tpu.memory_space<hbm>> -> memref<128xi32, #tpu.memory_space<hbm>>
        %dma_start3A_45 = tpu.memref_slice %arg7[%mul3A_34] : memref<10240xi32, #tpu.memory_space<hbm>> -> memref<128xi32, #tpu.memory_space<hbm>>
        tpu.enqueue_dma source(%dma_start3A_45 : memref<128xi32, #tpu.memory_space<hbm>>) target(%arg15 : memref<128xi32, #tpu.memory_space<vmem>>) target_semaphore(%run_scoped3A : memref<!tpu.dma_semaphore, #tpu.memory_space<semaphore_mem>>)
        %dma_wait3A_46 = tpu.memref_slice %arg7[%mul3A_34] : memref<10240xi32, #tpu.memory_space<hbm>> -> memref<128xi32, #tpu.memory_space<hbm>>
        %dma_wait3A_47 = tpu.memref_slice %arg7[%mul3A_34] : memref<10240xi32, #tpu.memory_space<hbm>> -> memref<128xi32, #tpu.memory_space<hbm>>
        tpu.wait_dma2 semaphore(%run_scoped3A : memref<!tpu.dma_semaphore, #tpu.memory_space<semaphore_mem>>) src(%dma_wait3A_47 : memref<128xi32, #tpu.memory_space<hbm>>) dst(%arg15 : memref<128xi32, #tpu.memory_space<vmem>>)
        tpu.yield
      }) : () -> ()
      %dma_start3A = arith.constant 0 : i32
      %dma_start3A_35 = arith.constant 0 : i32
      %dma_start3A_36 = tpu.memref_slice %arg13[%dma_start3A, %dma_start3A_35] : memref<1280x128xf32, #tpu.memory_space<vmem_shared>> -> memref<1280x128xf32, #tpu.memory_space<vmem_shared>>
      tpu.enqueue_indirect_dma source(%dma_start3A_36 : memref<1280x128xf32, #tpu.memory_space<vmem_shared>>) target(%arg18 : memref<128x128xf32, #tpu.memory_space<vmem>>) offsets(%arg15 : memref<128xi32, #tpu.memory_space<vmem>>) semaphore(%arg20 : memref<!tpu.dma_semaphore, #tpu.memory_space<semaphore_mem>>)
      %dma_wait3A = arith.constant 0 : i32
      %dma_wait3A_37 = arith.constant 0 : i32
      %dma_wait3A_38 = tpu.memref_slice %arg13[%dma_wait3A, %dma_wait3A_37] : memref<1280x128xf32, #tpu.memory_space<vmem_shared>> -> memref<1280x128xf32, #tpu.memory_space<vmem_shared>>
      tpu.wait_indirect_dma semaphore(%arg20 : memref<!tpu.dma_semaphore, #tpu.memory_space<semaphore_mem>>) src(%dma_wait3A_38 : memref<1280x128xf32, #tpu.memory_space<vmem_shared>>) dst(%arg18 : memref<128x128xf32, #tpu.memory_space<vmem>>)
      %mul3A_39 = arith.constant 1280 : i32
      %mul3A_40 = arith.muli %arg0, %mul3A_39 : i32
      %mul3A_41 = arith.constant 128 : i32
      %mul3A_42 = arith.muli %add3A_32, %mul3A_41 : i32
      %add3A_43 = arith.addi %mul3A_40, %mul3A_42 : i32
      "tpu.region"() ({
        %run_scoped3A = tpu.sem_alloc : memref<!tpu.dma_semaphore, #tpu.memory_space<semaphore_mem>>
        %dma_start3A_44 = arith.constant 0 : i32
        %dma_start3A_45 = tpu.memref_slice %arg11[%add3A_43, %dma_start3A_44] : memref<2560x128xf32, #tpu.memory_space<hbm>> -> memref<128x128xf32, #tpu.memory_space<hbm>>
        %dma_start3A_46 = arith.constant 0 : i32
        %dma_start3A_47 = tpu.memref_slice %arg11[%add3A_43, %dma_start3A_46] : memref<2560x128xf32, #tpu.memory_space<hbm>> -> memref<128x128xf32, #tpu.memory_space<hbm>>
        tpu.enqueue_dma source(%arg18 : memref<128x128xf32, #tpu.memory_space<vmem>>) target(%dma_start3A_47 : memref<128x128xf32, #tpu.memory_space<hbm>>) target_semaphore(%run_scoped3A : memref<!tpu.dma_semaphore, #tpu.memory_space<semaphore_mem>>)
        %dma_wait3A_48 = arith.constant 0 : i32
        %dma_wait3A_49 = tpu.memref_slice %arg11[%add3A_43, %dma_wait3A_48] : memref<2560x128xf32, #tpu.memory_space<hbm>> -> memref<128x128xf32, #tpu.memory_space<hbm>>
        %dma_wait3A_50 = arith.constant 0 : i32
        %dma_wait3A_51 = tpu.memref_slice %arg11[%add3A_43, %dma_wait3A_50] : memref<2560x128xf32, #tpu.memory_space<hbm>> -> memref<128x128xf32, #tpu.memory_space<hbm>>
        tpu.wait_dma2 semaphore(%run_scoped3A : memref<!tpu.dma_semaphore, #tpu.memory_space<semaphore_mem>>) src(%arg18 : memref<128x128xf32, #tpu.memory_space<vmem>>) dst(%dma_wait3A_51 : memref<128x128xf32, #tpu.memory_space<hbm>>)
        tpu.yield
      }) : () -> ()
    }
    %scan3A_27 = arith.constant 10 : i32
    return
  }
}

#map = affine_map<(d0, d1) -> (0, 0)>
#map1 = affine_map<(d0, d1) -> (0)>
module attributes {stable_mosaic.version = 14 : i64} {
  func.func @_sc_body(%arg0: i32, %arg1: i32, %arg2: memref<10240x128xf32, #tpu.memory_space<hbm>>, %arg3: memref<163840xi32, #tpu.memory_space<hbm>>, %arg4: memref<163840xi32, #tpu.memory_space<hbm>>, %arg5: memref<163840xi32, #tpu.memory_space<hbm>>, %arg6: memref<163840xi32, #tpu.memory_space<hbm>>, %arg7: memref<10240xi32, #tpu.memory_space<hbm>>, %arg8: memref<128x128xf32, #tpu.memory_space<hbm>>, %arg9: memref<8x128xf32, #tpu.memory_space<hbm>>, %arg10: memref<20480x128xf32, #tpu.memory_space<hbm>>, %arg11: memref<2560x128xf32, #tpu.memory_space<hbm>>, %arg12: memref<10240x128xf32, #tpu.memory_space<vmem_shared>>, %arg13: memref<1280x128xf32, #tpu.memory_space<vmem_shared>>, %arg14: memref<128xi32, #tpu.memory_space<vmem>>, %arg15: memref<128xi32, #tpu.memory_space<vmem>>, %arg16: memref<128xi32, #tpu.memory_space<vmem>>, %arg17: memref<128xi32, #tpu.memory_space<vmem>>, %arg18: memref<128x128xf32, #tpu.memory_space<vmem>>, %arg19: memref<128x128xf32, #tpu.memory_space<vmem>>, %arg20: memref<!tpu.dma_semaphore, #tpu.memory_space<semaphore_mem>>, %arg21: memref<!tpu.dma_semaphore, #tpu.memory_space<semaphore_mem>>) attributes {dimension_semantics = [#tpu.dimension_semantics<core_parallel>, #tpu.dimension_semantics<subcore_parallel>], iteration_bounds = array<i64: 2, 16>, scalar_prefetch = 0 : i64, scratch_operands = 10 : i64, tpu.core_type = #tpu.core_type<sc_vector_subcore>, window_params = [{transform_indices = #map}, {transform_indices = #map1}, {transform_indices = #map1}, {transform_indices = #map1}, {transform_indices = #map1}, {transform_indices = #map1}, {transform_indices = #map}, {transform_indices = #map}, {transform_indices = #map}, {transform_indices = #map}]} {
    "tpu.region"() ({
      %run_scoped3A = tpu.sem_alloc : memref<!tpu.dma_semaphore, #tpu.memory_space<semaphore_mem>>
      tpu.enqueue_dma source(%arg8 : memref<128x128xf32, #tpu.memory_space<hbm>>) target(%arg18 : memref<128x128xf32, #tpu.memory_space<vmem>>) target_semaphore(%run_scoped3A : memref<!tpu.dma_semaphore, #tpu.memory_space<semaphore_mem>>)
      tpu.wait_dma2 semaphore(%run_scoped3A : memref<!tpu.dma_semaphore, #tpu.memory_space<semaphore_mem>>) src(%arg8 : memref<128x128xf32, #tpu.memory_space<hbm>>) dst(%arg18 : memref<128x128xf32, #tpu.memory_space<vmem>>)
      tpu.yield
    }) : () -> ()
    %scan3A = arith.constant 0 : i32
    %scan3A_0 = arith.constant 5 : i32
    %scan3A_1 = arith.addi %scan3A, %scan3A_0 : i32
    %scan3A_2 = arith.constant 1 : i32
    scf.for %scan3A_28 = %scan3A to %scan3A_1 step %scan3A_2  : i32 {
      %mul3A_29 = arith.constant 1 : i32
      %mul3A_30 = arith.muli %scan3A_28, %mul3A_29 : i32
      %add3A_31 = arith.constant 0 : i32
      %add3A_32 = arith.addi %add3A_31, %mul3A_30 : i32
      %mul3A_33 = arith.constant 640 : i32
      %mul3A_34 = arith.muli %arg1, %mul3A_33 : i32
      %mul3A_35 = arith.constant 128 : i32
      %mul3A_36 = arith.muli %add3A_32, %mul3A_35 : i32
      %add3A_37 = arith.addi %mul3A_34, %mul3A_36 : i32
      "tpu.region"() ({
        %run_scoped3A = tpu.sem_alloc : memref<!tpu.dma_semaphore, #tpu.memory_space<semaphore_mem>>
        %dma_start3A = tpu.memref_slice %arg7[%add3A_37] : memref<10240xi32, #tpu.memory_space<hbm>> -> memref<128xi32, #tpu.memory_space<hbm>>
        %dma_start3A_38 = tpu.memref_slice %arg7[%add3A_37] : memref<10240xi32, #tpu.memory_space<hbm>> -> memref<128xi32, #tpu.memory_space<hbm>>
        tpu.enqueue_dma source(%dma_start3A_38 : memref<128xi32, #tpu.memory_space<hbm>>) target(%arg15 : memref<128xi32, #tpu.memory_space<vmem>>) target_semaphore(%run_scoped3A : memref<!tpu.dma_semaphore, #tpu.memory_space<semaphore_mem>>)
        %dma_wait3A = tpu.memref_slice %arg7[%add3A_37] : memref<10240xi32, #tpu.memory_space<hbm>> -> memref<128xi32, #tpu.memory_space<hbm>>
        %dma_wait3A_39 = tpu.memref_slice %arg7[%add3A_37] : memref<10240xi32, #tpu.memory_space<hbm>> -> memref<128xi32, #tpu.memory_space<hbm>>
        tpu.wait_dma2 semaphore(%run_scoped3A : memref<!tpu.dma_semaphore, #tpu.memory_space<semaphore_mem>>) src(%dma_wait3A_39 : memref<128xi32, #tpu.memory_space<hbm>>) dst(%arg15 : memref<128xi32, #tpu.memory_space<vmem>>)
        tpu.yield
      }) : () -> ()
      "tpu.region"() ({
        %run_scoped3A = tpu.sem_alloc : memref<!tpu.dma_semaphore, #tpu.memory_space<semaphore_mem>>
        %dma_start3A = arith.constant 0 : i32
        %dma_start3A_38 = arith.constant 0 : i32
        %dma_start3A_39 = tpu.memref_slice %arg12[%dma_start3A, %dma_start3A_38] : memref<10240x128xf32, #tpu.memory_space<vmem_shared>> -> memref<10240x128xf32, #tpu.memory_space<vmem_shared>>
        tpu.enqueue_indirect_dma source(%arg18 : memref<128x128xf32, #tpu.memory_space<vmem>>) target(%dma_start3A_39 : memref<10240x128xf32, #tpu.memory_space<vmem_shared>>) offsets(%arg15 : memref<128xi32, #tpu.memory_space<vmem>>) semaphore(%run_scoped3A : memref<!tpu.dma_semaphore, #tpu.memory_space<semaphore_mem>>)
        %dma_wait3A = arith.constant 0 : i32
        %dma_wait3A_40 = arith.constant 0 : i32
        %dma_wait3A_41 = tpu.memref_slice %arg12[%dma_wait3A, %dma_wait3A_40] : memref<10240x128xf32, #tpu.memory_space<vmem_shared>> -> memref<10240x128xf32, #tpu.memory_space<vmem_shared>>
        tpu.wait_indirect_dma semaphore(%run_scoped3A : memref<!tpu.dma_semaphore, #tpu.memory_space<semaphore_mem>>) src(%arg18 : memref<128x128xf32, #tpu.memory_space<vmem>>) dst(%dma_wait3A_41 : memref<10240x128xf32, #tpu.memory_space<vmem_shared>>)
        tpu.yield
      }) : () -> ()
    }
    %scan3A_3 = arith.constant 5 : i32
    %scan3A_4 = arith.constant 0 : i32
    %scan3A_5 = arith.constant 10 : i32
    %scan3A_6 = arith.addi %scan3A_4, %scan3A_5 : i32
    %scan3A_7 = arith.constant 1 : i32
    scf.for %scan3A_28 = %scan3A_4 to %scan3A_6 step %scan3A_7  : i32 {
      %mul3A_29 = arith.constant 1 : i32
      %mul3A_30 = arith.muli %scan3A_28, %mul3A_29 : i32
      %add3A_31 = arith.constant 0 : i32
      %add3A_32 = arith.addi %add3A_31, %mul3A_30 : i32
      %mul3A_33 = arith.constant 128 : i32
      %mul3A_34 = arith.muli %add3A_32, %mul3A_33 : i32
      "tpu.region"() ({
        %run_scoped3A = tpu.sem_alloc : memref<!tpu.dma_semaphore, #tpu.memory_space<semaphore_mem>>
        %dma_start3A = tpu.memref_slice %arg7[%mul3A_34] : memref<10240xi32, #tpu.memory_space<hbm>> -> memref<128xi32, #tpu.memory_space<hbm>>
        %dma_start3A_35 = tpu.memref_slice %arg7[%mul3A_34] : memref<10240xi32, #tpu.memory_space<hbm>> -> memref<128xi32, #tpu.memory_space<hbm>>
        tpu.enqueue_dma source(%dma_start3A_35 : memref<128xi32, #tpu.memory_space<hbm>>) target(%arg15 : memref<128xi32, #tpu.memory_space<vmem>>) target_semaphore(%run_scoped3A : memref<!tpu.dma_semaphore, #tpu.memory_space<semaphore_mem>>)
        %dma_wait3A = tpu.memref_slice %arg7[%mul3A_34] : memref<10240xi32, #tpu.memory_space<hbm>> -> memref<128xi32, #tpu.memory_space<hbm>>
        %dma_wait3A_36 = tpu.memref_slice %arg7[%mul3A_34] : memref<10240xi32, #tpu.memory_space<hbm>> -> memref<128xi32, #tpu.memory_space<hbm>>
        tpu.wait_dma2 semaphore(%run_scoped3A : memref<!tpu.dma_semaphore, #tpu.memory_space<semaphore_mem>>) src(%dma_wait3A_36 : memref<128xi32, #tpu.memory_space<hbm>>) dst(%arg15 : memref<128xi32, #tpu.memory_space<vmem>>)
        tpu.yield
      }) : () -> ()
      "tpu.region"() ({
        %run_scoped3A = tpu.sem_alloc : memref<!tpu.dma_semaphore, #tpu.memory_space<semaphore_mem>>
        %dma_start3A = arith.constant 0 : i32
        %dma_start3A_35 = arith.constant 0 : i32
        %dma_start3A_36 = tpu.memref_slice %arg13[%dma_start3A, %dma_start3A_35] : memref<1280x128xf32, #tpu.memory_space<vmem_shared>> -> memref<1280x128xf32, #tpu.memory_space<vmem_shared>>
        tpu.enqueue_indirect_dma source(%arg18 : memref<128x128xf32, #tpu.memory_space<vmem>>) target(%dma_start3A_36 : memref<1280x128xf32, #tpu.memory_space<vmem_shared>>) offsets(%arg15 : memref<128xi32, #tpu.memory_space<vmem>>) semaphore(%run_scoped3A : memref<!tpu.dma_semaphore, #tpu.memory_space<semaphore_mem>>)
        %dma_wait3A = arith.constant 0 : i32
        %dma_wait3A_37 = arith.constant 0 : i32
        %dma_wait3A_38 = tpu.memref_slice %arg13[%dma_wait3A, %dma_wait3A_37] : memref<1280x128xf32, #tpu.memory_space<vmem_shared>> -> memref<1280x128xf32, #tpu.memory_space<vmem_shared>>
        tpu.wait_indirect_dma semaphore(%run_scoped3A : memref<!tpu.dma_semaphore, #tpu.memory_space<semaphore_mem>>) src(%arg18 : memref<128x128xf32, #tpu.memory_space<vmem>>) dst(%dma_wait3A_38 : memref<1280x128xf32, #tpu.memory_space<vmem_shared>>)
        tpu.yield
      }) : () -> ()
    }
    %scan3A_8 = arith.constant 10 : i32
    %barrier3A = arith.constant 0 : index
    tpu.barrier barrier_id(%barrier3A)
    %mul3A = arith.constant 16 : i32
    %mul3A_9 = arith.muli %arg0, %mul3A : i32
    %add3A = arith.addi %mul3A_9, %arg1 : i32
    %mul3A_10 = arith.constant 5120 : i32
    %mul3A_11 = arith.muli %add3A, %mul3A_10 : i32
    %scan3A_12 = arith.constant 0 : i32
    %scan3A_13 = arith.constant 40 : i32
    %scan3A_14 = arith.addi %scan3A_12, %scan3A_13 : i32
    %scan3A_15 = arith.constant 1 : i32
    scf.for %scan3A_28 = %scan3A_12 to %scan3A_14 step %scan3A_15  : i32 {
      %mul3A_29 = arith.constant 1 : i32
      %mul3A_30 = arith.muli %scan3A_28, %mul3A_29 : i32
      %add3A_31 = arith.constant 0 : i32
      %add3A_32 = arith.addi %add3A_31, %mul3A_30 : i32
      %mul3A_33 = arith.constant 128 : i32
      %mul3A_34 = arith.muli %add3A_32, %mul3A_33 : i32
      %add3A_35 = arith.addi %mul3A_11, %mul3A_34 : i32
      "tpu.region"() ({
        %run_scoped3A = tpu.sem_alloc : memref<!tpu.dma_semaphore, #tpu.memory_space<semaphore_mem>>
        %dma_start3A_58 = tpu.memref_slice %arg3[%add3A_35] : memref<163840xi32, #tpu.memory_space<hbm>> -> memref<128xi32, #tpu.memory_space<hbm>>
        %dma_start3A_59 = tpu.memref_slice %arg3[%add3A_35] : memref<163840xi32, #tpu.memory_space<hbm>> -> memref<128xi32, #tpu.memory_space<hbm>>
        tpu.enqueue_dma source(%dma_start3A_59 : memref<128xi32, #tpu.memory_space<hbm>>) target(%arg14 : memref<128xi32, #tpu.memory_space<vmem>>) target_semaphore(%run_scoped3A : memref<!tpu.dma_semaphore, #tpu.memory_space<semaphore_mem>>)
        %dma_wait3A_60 = tpu.memref_slice %arg3[%add3A_35] : memref<163840xi32, #tpu.memory_space<hbm>> -> memref<128xi32, #tpu.memory_space<hbm>>
        %dma_wait3A_61 = tpu.memref_slice %arg3[%add3A_35] : memref<163840xi32, #tpu.memory_space<hbm>> -> memref<128xi32, #tpu.memory_space<hbm>>
        tpu.wait_dma2 semaphore(%run_scoped3A : memref<!tpu.dma_semaphore, #tpu.memory_space<semaphore_mem>>) src(%dma_wait3A_61 : memref<128xi32, #tpu.memory_space<hbm>>) dst(%arg14 : memref<128xi32, #tpu.memory_space<vmem>>)
        tpu.yield
      }) : () -> ()
      "tpu.region"() ({
        %run_scoped3A = tpu.sem_alloc : memref<!tpu.dma_semaphore, #tpu.memory_space<semaphore_mem>>
        %dma_start3A_58 = tpu.memref_slice %arg4[%add3A_35] : memref<163840xi32, #tpu.memory_space<hbm>> -> memref<128xi32, #tpu.memory_space<hbm>>
        %dma_start3A_59 = tpu.memref_slice %arg4[%add3A_35] : memref<163840xi32, #tpu.memory_space<hbm>> -> memref<128xi32, #tpu.memory_space<hbm>>
        tpu.enqueue_dma source(%dma_start3A_59 : memref<128xi32, #tpu.memory_space<hbm>>) target(%arg15 : memref<128xi32, #tpu.memory_space<vmem>>) target_semaphore(%run_scoped3A : memref<!tpu.dma_semaphore, #tpu.memory_space<semaphore_mem>>)
        %dma_wait3A_60 = tpu.memref_slice %arg4[%add3A_35] : memref<163840xi32, #tpu.memory_space<hbm>> -> memref<128xi32, #tpu.memory_space<hbm>>
        %dma_wait3A_61 = tpu.memref_slice %arg4[%add3A_35] : memref<163840xi32, #tpu.memory_space<hbm>> -> memref<128xi32, #tpu.memory_space<hbm>>
        tpu.wait_dma2 semaphore(%run_scoped3A : memref<!tpu.dma_semaphore, #tpu.memory_space<semaphore_mem>>) src(%dma_wait3A_61 : memref<128xi32, #tpu.memory_space<hbm>>) dst(%arg15 : memref<128xi32, #tpu.memory_space<vmem>>)
        tpu.yield
      }) : () -> ()
      "tpu.region"() ({
        %run_scoped3A = tpu.sem_alloc : memref<!tpu.dma_semaphore, #tpu.memory_space<semaphore_mem>>
        %dma_start3A_58 = tpu.memref_slice %arg5[%add3A_35] : memref<163840xi32, #tpu.memory_space<hbm>> -> memref<128xi32, #tpu.memory_space<hbm>>
        %dma_start3A_59 = tpu.memref_slice %arg5[%add3A_35] : memref<163840xi32, #tpu.memory_space<hbm>> -> memref<128xi32, #tpu.memory_space<hbm>>
        tpu.enqueue_dma source(%dma_start3A_59 : memref<128xi32, #tpu.memory_space<hbm>>) target(%arg16 : memref<128xi32, #tpu.memory_space<vmem>>) target_semaphore(%run_scoped3A : memref<!tpu.dma_semaphore, #tpu.memory_space<semaphore_mem>>)
        %dma_wait3A_60 = tpu.memref_slice %arg5[%add3A_35] : memref<163840xi32, #tpu.memory_space<hbm>> -> memref<128xi32, #tpu.memory_space<hbm>>
        %dma_wait3A_61 = tpu.memref_slice %arg5[%add3A_35] : memref<163840xi32, #tpu.memory_space<hbm>> -> memref<128xi32, #tpu.memory_space<hbm>>
        tpu.wait_dma2 semaphore(%run_scoped3A : memref<!tpu.dma_semaphore, #tpu.memory_space<semaphore_mem>>) src(%dma_wait3A_61 : memref<128xi32, #tpu.memory_space<hbm>>) dst(%arg16 : memref<128xi32, #tpu.memory_space<vmem>>)
        tpu.yield
      }) : () -> ()
      "tpu.region"() ({
        %run_scoped3A = tpu.sem_alloc : memref<!tpu.dma_semaphore, #tpu.memory_space<semaphore_mem>>
        %dma_start3A_58 = tpu.memref_slice %arg6[%add3A_35] : memref<163840xi32, #tpu.memory_space<hbm>> -> memref<128xi32, #tpu.memory_space<hbm>>
        %dma_start3A_59 = tpu.memref_slice %arg6[%add3A_35] : memref<163840xi32, #tpu.memory_space<hbm>> -> memref<128xi32, #tpu.memory_space<hbm>>
        tpu.enqueue_dma source(%dma_start3A_59 : memref<128xi32, #tpu.memory_space<hbm>>) target(%arg17 : memref<128xi32, #tpu.memory_space<vmem>>) target_semaphore(%run_scoped3A : memref<!tpu.dma_semaphore, #tpu.memory_space<semaphore_mem>>)
        %dma_wait3A_60 = tpu.memref_slice %arg6[%add3A_35] : memref<163840xi32, #tpu.memory_space<hbm>> -> memref<128xi32, #tpu.memory_space<hbm>>
        %dma_wait3A_61 = tpu.memref_slice %arg6[%add3A_35] : memref<163840xi32, #tpu.memory_space<hbm>> -> memref<128xi32, #tpu.memory_space<hbm>>
        tpu.wait_dma2 semaphore(%run_scoped3A : memref<!tpu.dma_semaphore, #tpu.memory_space<semaphore_mem>>) src(%dma_wait3A_61 : memref<128xi32, #tpu.memory_space<hbm>>) dst(%arg17 : memref<128xi32, #tpu.memory_space<vmem>>)
        tpu.yield
      }) : () -> ()
      %dma_start3A = arith.constant 0 : i32
      %dma_start3A_36 = arith.constant 0 : i32
      %dma_start3A_37 = tpu.memref_slice %arg2[%dma_start3A, %dma_start3A_36] : memref<10240x128xf32, #tpu.memory_space<hbm>> -> memref<10240x128xf32, #tpu.memory_space<hbm>>
      tpu.enqueue_indirect_dma source(%dma_start3A_37 : memref<10240x128xf32, #tpu.memory_space<hbm>>) target(%arg18 : memref<128x128xf32, #tpu.memory_space<vmem>>) offsets(%arg14 : memref<128xi32, #tpu.memory_space<vmem>>) semaphore(%arg20 : memref<!tpu.dma_semaphore, #tpu.memory_space<semaphore_mem>>)
      %dma_start3A_38 = arith.constant 0 : i32
      %dma_start3A_39 = arith.constant 0 : i32
      %dma_start3A_40 = tpu.memref_slice %arg9[%dma_start3A_38, %dma_start3A_39] : memref<8x128xf32, #tpu.memory_space<hbm>> -> memref<8x128xf32, #tpu.memory_space<hbm>>
      tpu.enqueue_indirect_dma source(%dma_start3A_40 : memref<8x128xf32, #tpu.memory_space<hbm>>) target(%arg19 : memref<128x128xf32, #tpu.memory_space<vmem>>) offsets(%arg17 : memref<128xi32, #tpu.memory_space<vmem>>) semaphore(%arg21 : memref<!tpu.dma_semaphore, #tpu.memory_space<semaphore_mem>>)
      %dma_wait3A = arith.constant 0 : i32
      %dma_wait3A_41 = arith.constant 0 : i32
      %dma_wait3A_42 = tpu.memref_slice %arg2[%dma_wait3A, %dma_wait3A_41] : memref<10240x128xf32, #tpu.memory_space<hbm>> -> memref<10240x128xf32, #tpu.memory_space<hbm>>
      tpu.wait_indirect_dma semaphore(%arg20 : memref<!tpu.dma_semaphore, #tpu.memory_space<semaphore_mem>>) src(%dma_wait3A_42 : memref<10240x128xf32, #tpu.memory_space<hbm>>) dst(%arg18 : memref<128x128xf32, #tpu.memory_space<vmem>>)
      %dma_wait3A_43 = arith.constant 0 : i32
      %dma_wait3A_44 = arith.constant 0 : i32
      %dma_wait3A_45 = tpu.memref_slice %arg9[%dma_wait3A_43, %dma_wait3A_44] : memref<8x128xf32, #tpu.memory_space<hbm>> -> memref<8x128xf32, #tpu.memory_space<hbm>>
      tpu.wait_indirect_dma semaphore(%arg21 : memref<!tpu.dma_semaphore, #tpu.memory_space<semaphore_mem>>) src(%dma_wait3A_45 : memref<8x128xf32, #tpu.memory_space<hbm>>) dst(%arg19 : memref<128x128xf32, #tpu.memory_space<vmem>>)
      %dma_start3A_46 = arith.constant 0 : i32
      %dma_start3A_47 = arith.constant 0 : i32
      %dma_start3A_48 = tpu.memref_slice %arg12[%dma_start3A_46, %dma_start3A_47] : memref<10240x128xf32, #tpu.memory_space<vmem_shared>> -> memref<10240x128xf32, #tpu.memory_space<vmem_shared>>
      tpu.enqueue_indirect_dma source(%arg18 : memref<128x128xf32, #tpu.memory_space<vmem>>) target(%dma_start3A_48 : memref<10240x128xf32, #tpu.memory_space<vmem_shared>>) offsets(%arg15 : memref<128xi32, #tpu.memory_space<vmem>>) semaphore(%arg20 : memref<!tpu.dma_semaphore, #tpu.memory_space<semaphore_mem>>) {add = true}
      %dma_start3A_49 = arith.constant 0 : i32
      %dma_start3A_50 = arith.constant 0 : i32
      %dma_start3A_51 = tpu.memref_slice %arg13[%dma_start3A_49, %dma_start3A_50] : memref<1280x128xf32, #tpu.memory_space<vmem_shared>> -> memref<1280x128xf32, #tpu.memory_space<vmem_shared>>
      tpu.enqueue_indirect_dma source(%arg19 : memref<128x128xf32, #tpu.memory_space<vmem>>) target(%dma_start3A_51 : memref<1280x128xf32, #tpu.memory_space<vmem_shared>>) offsets(%arg16 : memref<128xi32, #tpu.memory_space<vmem>>) semaphore(%arg21 : memref<!tpu.dma_semaphore, #tpu.memory_space<semaphore_mem>>) {add = true}
      %dma_wait3A_52 = arith.constant 0 : i32
      %dma_wait3A_53 = arith.constant 0 : i32
      %dma_wait3A_54 = tpu.memref_slice %arg12[%dma_wait3A_52, %dma_wait3A_53] : memref<10240x128xf32, #tpu.memory_space<vmem_shared>> -> memref<10240x128xf32, #tpu.memory_space<vmem_shared>>
      tpu.wait_indirect_dma semaphore(%arg20 : memref<!tpu.dma_semaphore, #tpu.memory_space<semaphore_mem>>) src(%arg18 : memref<128x128xf32, #tpu.memory_space<vmem>>) dst(%dma_wait3A_54 : memref<10240x128xf32, #tpu.memory_space<vmem_shared>>)
      %dma_wait3A_55 = arith.constant 0 : i32
      %dma_wait3A_56 = arith.constant 0 : i32
      %dma_wait3A_57 = tpu.memref_slice %arg13[%dma_wait3A_55, %dma_wait3A_56] : memref<1280x128xf32, #tpu.memory_space<vmem_shared>> -> memref<1280x128xf32, #tpu.memory_space<vmem_shared>>
      tpu.wait_indirect_dma semaphore(%arg21 : memref<!tpu.dma_semaphore, #tpu.memory_space<semaphore_mem>>) src(%arg19 : memref<128x128xf32, #tpu.memory_space<vmem>>) dst(%dma_wait3A_57 : memref<1280x128xf32, #tpu.memory_space<vmem_shared>>)
    }
    %scan3A_16 = arith.constant 40 : i32
    %barrier3A_17 = arith.constant 0 : index
    tpu.barrier barrier_id(%barrier3A_17)
    %scan3A_18 = arith.constant 0 : i32
    %scan3A_19 = arith.constant 5 : i32
    %scan3A_20 = arith.addi %scan3A_18, %scan3A_19 : i32
    %scan3A_21 = arith.constant 1 : i32
    scf.for %scan3A_28 = %scan3A_18 to %scan3A_20 step %scan3A_21  : i32 {
      %mul3A_29 = arith.constant 1 : i32
      %mul3A_30 = arith.muli %scan3A_28, %mul3A_29 : i32
      %add3A_31 = arith.constant 0 : i32
      %add3A_32 = arith.addi %add3A_31, %mul3A_30 : i32
      %mul3A_33 = arith.constant 640 : i32
      %mul3A_34 = arith.muli %arg1, %mul3A_33 : i32
      %mul3A_35 = arith.constant 128 : i32
      %mul3A_36 = arith.muli %add3A_32, %mul3A_35 : i32
      %add3A_37 = arith.addi %mul3A_34, %mul3A_36 : i32
      "tpu.region"() ({
        %run_scoped3A = tpu.sem_alloc : memref<!tpu.dma_semaphore, #tpu.memory_space<semaphore_mem>>
        %dma_start3A_45 = tpu.memref_slice %arg7[%add3A_37] : memref<10240xi32, #tpu.memory_space<hbm>> -> memref<128xi32, #tpu.memory_space<hbm>>
        %dma_start3A_46 = tpu.memref_slice %arg7[%add3A_37] : memref<10240xi32, #tpu.memory_space<hbm>> -> memref<128xi32, #tpu.memory_space<hbm>>
        tpu.enqueue_dma source(%dma_start3A_46 : memref<128xi32, #tpu.memory_space<hbm>>) target(%arg15 : memref<128xi32, #tpu.memory_space<vmem>>) target_semaphore(%run_scoped3A : memref<!tpu.dma_semaphore, #tpu.memory_space<semaphore_mem>>)
        %dma_wait3A_47 = tpu.memref_slice %arg7[%add3A_37] : memref<10240xi32, #tpu.memory_space<hbm>> -> memref<128xi32, #tpu.memory_space<hbm>>
        %dma_wait3A_48 = tpu.memref_slice %arg7[%add3A_37] : memref<10240xi32, #tpu.memory_space<hbm>> -> memref<128xi32, #tpu.memory_space<hbm>>
        tpu.wait_dma2 semaphore(%run_scoped3A : memref<!tpu.dma_semaphore, #tpu.memory_space<semaphore_mem>>) src(%dma_wait3A_48 : memref<128xi32, #tpu.memory_space<hbm>>) dst(%arg15 : memref<128xi32, #tpu.memory_space<vmem>>)
        tpu.yield
      }) : () -> ()
      %dma_start3A = arith.constant 0 : i32
      %dma_start3A_38 = arith.constant 0 : i32
      %dma_start3A_39 = tpu.memref_slice %arg12[%dma_start3A, %dma_start3A_38] : memref<10240x128xf32, #tpu.memory_space<vmem_shared>> -> memref<10240x128xf32, #tpu.memory_space<vmem_shared>>
      tpu.enqueue_indirect_dma source(%dma_start3A_39 : memref<10240x128xf32, #tpu.memory_space<vmem_shared>>) target(%arg18 : memref<128x128xf32, #tpu.memory_space<vmem>>) offsets(%arg15 : memref<128xi32, #tpu.memory_space<vmem>>) semaphore(%arg20 : memref<!tpu.dma_semaphore, #tpu.memory_space<semaphore_mem>>)
      %dma_wait3A = arith.constant 0 : i32
      %dma_wait3A_40 = arith.constant 0 : i32
      %dma_wait3A_41 = tpu.memref_slice %arg12[%dma_wait3A, %dma_wait3A_40] : memref<10240x128xf32, #tpu.memory_space<vmem_shared>> -> memref<10240x128xf32, #tpu.memory_space<vmem_shared>>
      tpu.wait_indirect_dma semaphore(%arg20 : memref<!tpu.dma_semaphore, #tpu.memory_space<semaphore_mem>>) src(%dma_wait3A_41 : memref<10240x128xf32, #tpu.memory_space<vmem_shared>>) dst(%arg18 : memref<128x128xf32, #tpu.memory_space<vmem>>)
      %mul3A_42 = arith.constant 10240 : i32
      %mul3A_43 = arith.muli %arg0, %mul3A_42 : i32
      %add3A_44 = arith.addi %mul3A_43, %add3A_37 : i32
      "tpu.region"() ({
        %run_scoped3A = tpu.sem_alloc : memref<!tpu.dma_semaphore, #tpu.memory_space<semaphore_mem>>
        %dma_start3A_45 = arith.constant 0 : i32
        %dma_start3A_46 = tpu.memref_slice %arg10[%add3A_44, %dma_start3A_45] : memref<20480x128xf32, #tpu.memory_space<hbm>> -> memref<128x128xf32, #tpu.memory_space<hbm>>
        %dma_start3A_47 = arith.constant 0 : i32
        %dma_start3A_48 = tpu.memref_slice %arg10[%add3A_44, %dma_start3A_47] : memref<20480x128xf32, #tpu.memory_space<hbm>> -> memref<128x128xf32, #tpu.memory_space<hbm>>
        tpu.enqueue_dma source(%arg18 : memref<128x128xf32, #tpu.memory_space<vmem>>) target(%dma_start3A_48 : memref<128x128xf32, #tpu.memory_space<hbm>>) target_semaphore(%run_scoped3A : memref<!tpu.dma_semaphore, #tpu.memory_space<semaphore_mem>>)
        %dma_wait3A_49 = arith.constant 0 : i32
        %dma_wait3A_50 = tpu.memref_slice %arg10[%add3A_44, %dma_wait3A_49] : memref<20480x128xf32, #tpu.memory_space<hbm>> -> memref<128x128xf32, #tpu.memory_space<hbm>>
        %dma_wait3A_51 = arith.constant 0 : i32
        %dma_wait3A_52 = tpu.memref_slice %arg10[%add3A_44, %dma_wait3A_51] : memref<20480x128xf32, #tpu.memory_space<hbm>> -> memref<128x128xf32, #tpu.memory_space<hbm>>
        tpu.wait_dma2 semaphore(%run_scoped3A : memref<!tpu.dma_semaphore, #tpu.memory_space<semaphore_mem>>) src(%arg18 : memref<128x128xf32, #tpu.memory_space<vmem>>) dst(%dma_wait3A_52 : memref<128x128xf32, #tpu.memory_space<hbm>>)
        tpu.yield
      }) : () -> ()
    }
    %scan3A_22 = arith.constant 5 : i32
    %scan3A_23 = arith.constant 0 : i32
    %scan3A_24 = arith.constant 10 : i32
    %scan3A_25 = arith.addi %scan3A_23, %scan3A_24 : i32
    %scan3A_26 = arith.constant 1 : i32
    scf.for %scan3A_28 = %scan3A_23 to %scan3A_25 step %scan3A_26  : i32 {
      %mul3A_29 = arith.constant 1 : i32
      %mul3A_30 = arith.muli %scan3A_28, %mul3A_29 : i32
      %add3A_31 = arith.constant 0 : i32
      %add3A_32 = arith.addi %add3A_31, %mul3A_30 : i32
      %mul3A_33 = arith.constant 128 : i32
      %mul3A_34 = arith.muli %add3A_32, %mul3A_33 : i32
      "tpu.region"() ({
        %run_scoped3A = tpu.sem_alloc : memref<!tpu.dma_semaphore, #tpu.memory_space<semaphore_mem>>
        %dma_start3A_44 = tpu.memref_slice %arg7[%mul3A_34] : memref<10240xi32, #tpu.memory_space<hbm>> -> memref<128xi32, #tpu.memory_space<hbm>>
        %dma_start3A_45 = tpu.memref_slice %arg7[%mul3A_34] : memref<10240xi32, #tpu.memory_space<hbm>> -> memref<128xi32, #tpu.memory_space<hbm>>
        tpu.enqueue_dma source(%dma_start3A_45 : memref<128xi32, #tpu.memory_space<hbm>>) target(%arg15 : memref<128xi32, #tpu.memory_space<vmem>>) target_semaphore(%run_scoped3A : memref<!tpu.dma_semaphore, #tpu.memory_space<semaphore_mem>>)
        %dma_wait3A_46 = tpu.memref_slice %arg7[%mul3A_34] : memref<10240xi32, #tpu.memory_space<hbm>> -> memref<128xi32, #tpu.memory_space<hbm>>
        %dma_wait3A_47 = tpu.memref_slice %arg7[%mul3A_34] : memref<10240xi32, #tpu.memory_space<hbm>> -> memref<128xi32, #tpu.memory_space<hbm>>
        tpu.wait_dma2 semaphore(%run_scoped3A : memref<!tpu.dma_semaphore, #tpu.memory_space<semaphore_mem>>) src(%dma_wait3A_47 : memref<128xi32, #tpu.memory_space<hbm>>) dst(%arg15 : memref<128xi32, #tpu.memory_space<vmem>>)
        tpu.yield
      }) : () -> ()
      %dma_start3A = arith.constant 0 : i32
      %dma_start3A_35 = arith.constant 0 : i32
      %dma_start3A_36 = tpu.memref_slice %arg13[%dma_start3A, %dma_start3A_35] : memref<1280x128xf32, #tpu.memory_space<vmem_shared>> -> memref<1280x128xf32, #tpu.memory_space<vmem_shared>>
      tpu.enqueue_indirect_dma source(%dma_start3A_36 : memref<1280x128xf32, #tpu.memory_space<vmem_shared>>) target(%arg18 : memref<128x128xf32, #tpu.memory_space<vmem>>) offsets(%arg15 : memref<128xi32, #tpu.memory_space<vmem>>) semaphore(%arg20 : memref<!tpu.dma_semaphore, #tpu.memory_space<semaphore_mem>>)
      %dma_wait3A = arith.constant 0 : i32
      %dma_wait3A_37 = arith.constant 0 : i32
      %dma_wait3A_38 = tpu.memref_slice %arg13[%dma_wait3A, %dma_wait3A_37] : memref<1280x128xf32, #tpu.memory_space<vmem_shared>> -> memref<1280x128xf32, #tpu.memory_space<vmem_shared>>
      tpu.wait_indirect_dma semaphore(%arg20 : memref<!tpu.dma_semaphore, #tpu.memory_space<semaphore_mem>>) src(%dma_wait3A_38 : memref<1280x128xf32, #tpu.memory_space<vmem_shared>>) dst(%arg18 : memref<128x128xf32, #tpu.memory_space<vmem>>)
      %mul3A_39 = arith.constant 1280 : i32
      %mul3A_40 = arith.muli %arg0, %mul3A_39 : i32
      %mul3A_41 = arith.constant 128 : i32
      %mul3A_42 = arith.muli %add3A_32, %mul3A_41 : i32
      %add3A_43 = arith.addi %mul3A_40, %mul3A_42 : i32
      "tpu.region"() ({
        %run_scoped3A = tpu.sem_alloc : memref<!tpu.dma_semaphore, #tpu.memory_space<semaphore_mem>>
        %dma_start3A_44 = arith.constant 0 : i32
        %dma_start3A_45 = tpu.memref_slice %arg11[%add3A_43, %dma_start3A_44] : memref<2560x128xf32, #tpu.memory_space<hbm>> -> memref<128x128xf32, #tpu.memory_space<hbm>>
        %dma_start3A_46 = arith.constant 0 : i32
        %dma_start3A_47 = tpu.memref_slice %arg11[%add3A_43, %dma_start3A_46] : memref<2560x128xf32, #tpu.memory_space<hbm>> -> memref<128x128xf32, #tpu.memory_space<hbm>>
        tpu.enqueue_dma source(%arg18 : memref<128x128xf32, #tpu.memory_space<vmem>>) target(%dma_start3A_47 : memref<128x128xf32, #tpu.memory_space<hbm>>) target_semaphore(%run_scoped3A : memref<!tpu.dma_semaphore, #tpu.memory_space<semaphore_mem>>)
        %dma_wait3A_48 = arith.constant 0 : i32
        %dma_wait3A_49 = tpu.memref_slice %arg11[%add3A_43, %dma_wait3A_48] : memref<2560x128xf32, #tpu.memory_space<hbm>> -> memref<128x128xf32, #tpu.memory_space<hbm>>
        %dma_wait3A_50 = arith.constant 0 : i32
        %dma_wait3A_51 = tpu.memref_slice %arg11[%add3A_43, %dma_wait3A_50] : memref<2560x128xf32, #tpu.memory_space<hbm>> -> memref<128x128xf32, #tpu.memory_space<hbm>>
        tpu.wait_dma2 semaphore(%run_scoped3A : memref<!tpu.dma_semaphore, #tpu.memory_space<semaphore_mem>>) src(%arg18 : memref<128x128xf32, #tpu.memory_space<vmem>>) dst(%dma_wait3A_51 : memref<128x128xf32, #tpu.memory_space<hbm>>)
        tpu.yield
      }) : () -> ()
    }
    %scan3A_27 = arith.constant 10 : i32
    return
  }
}

module attributes {stable_mosaic.version = 14 : i64} {
  func.func @_mlp_block(%arg0: i32, %arg1: memref<512x128xf32, #tpu.memory_space<vmem>>, %arg2: memref<128x256xf32, #tpu.memory_space<vmem>>, %arg3: memref<256x128xf32, #tpu.memory_space<vmem>>, %arg4: memref<512x128xf32, #tpu.memory_space<vmem>>) attributes {dimension_semantics = [#tpu.dimension_semantics<arbitrary>], iteration_bounds = array<i64: 20>, scalar_prefetch = 0 : i64, scratch_operands = 0 : i64, tpu.core_type = #tpu.core_type<tc>, window_params = [{transform_indices = @transform_0, window_bounds = array<i64: 512, 128>}, {pipeline_mode = #tpu.pipeline_mode<synchronous>, transform_indices = @transform_1, window_bounds = array<i64: 128, 256>}, {pipeline_mode = #tpu.pipeline_mode<synchronous>, transform_indices = @transform_2, window_bounds = array<i64: 256, 128>}, {transform_indices = @transform_3, window_bounds = array<i64: 512, 128>}]} {
    %get3A = arith.constant 0 : index
    %get3A_0 = arith.constant 0 : index
    %get3A_1 = vector.load %arg1[%get3A, %get3A_0] : memref<512x128xf32, #tpu.memory_space<vmem>>, vector<512x128xf32>
    %get3A_2 = arith.constant 0 : index
    %get3A_3 = arith.constant 0 : index
    %get3A_4 = vector.load %arg2[%get3A_2, %get3A_3] : memref<128x256xf32, #tpu.memory_space<vmem>>, vector<128x256xf32>
    %dot_general3A = arith.constant dense<0.000000e+00> : vector<512x256xf32>
    %dot_general3A_5 = tpu.matmul %get3A_1, %get3A_4, %dot_general3A {dimension_numbers = #tpu.dot_dimension_numbers<[1], [0], [0], [1], [0, 0, 1, 1], [], []>, transpose_lhs_hint = false} : vector<512x128xf32>, vector<128x256xf32>, vector<512x256xf32> -> vector<512x256xf32>
    %max3A = arith.constant 0.000000e+00 : f32
    %max3A_6 = vector.broadcast %max3A : f32 to vector<512x256xf32>
    %max3A_7 = arith.maximumf %dot_general3A_5, %max3A_6 : vector<512x256xf32>
    %get3A_8 = arith.constant 0 : index
    %get3A_9 = arith.constant 0 : index
    %get3A_10 = vector.load %arg3[%get3A_8, %get3A_9] : memref<256x128xf32, #tpu.memory_space<vmem>>, vector<256x128xf32>
    %dot_general3A_11 = arith.constant dense<0.000000e+00> : vector<512x128xf32>
    %dot_general3A_12 = tpu.matmul %max3A_7, %get3A_10, %dot_general3A_11 {dimension_numbers = #tpu.dot_dimension_numbers<[1], [0], [0], [1], [0, 0, 1, 1], [], []>, transpose_lhs_hint = false} : vector<512x256xf32>, vector<256x128xf32>, vector<512x128xf32> -> vector<512x128xf32>
    %swap3A = arith.constant 0 : index
    %swap3A_13 = arith.constant 0 : index
    %swap3A_14 = vector.load %arg4[%swap3A, %swap3A_13] : memref<512x128xf32, #tpu.memory_space<vmem>>, vector<512x128xf32>
    tpu.vector_store %arg4[%swap3A, %swap3A_13], %dot_general3A_12 {strides = array<i32>} : memref<512x128xf32, #tpu.memory_space<vmem>>, vector<512x128xf32>,
    return
  }
  func.func @transform_0(%arg0: i32) -> (i32, i32) {
    %c0_i32 = arith.constant 0 : i32
    %c0_i32_0 = arith.constant 0 : i32
    return %arg0, %c0_i32 : i32, i32
  }
  func.func @transform_1(%arg0: i32) -> (i32, i32) {
    %c0_i32 = arith.constant 0 : i32
    %c0_i32_0 = arith.constant 0 : i32
    %c0_i32_1 = arith.constant 0 : i32
    return %c0_i32, %c0_i32_0 : i32, i32
  }
  func.func @transform_2(%arg0: i32) -> (i32, i32) {
    %c0_i32 = arith.constant 0 : i32
    %c0_i32_0 = arith.constant 0 : i32
    %c0_i32_1 = arith.constant 0 : i32
    return %c0_i32, %c0_i32_0 : i32, i32
  }
  func.func @transform_3(%arg0: i32) -> (i32, i32) {
    %c0_i32 = arith.constant 0 : i32
    %c0_i32_0 = arith.constant 0 : i32
    return %arg0, %c0_i32 : i32, i32
  }
}

module attributes {stable_mosaic.version = 14 : i64} {
  func.func @_combine_mlp_block(%arg0: i32, %arg1: memref<512x128xf32, #tpu.memory_space<vmem>>, %arg2: memref<2x512x128xf32, #tpu.memory_space<vmem>>, %arg3: memref<2x512x1xf32, #tpu.memory_space<vmem>>, %arg4: memref<128x256xf32, #tpu.memory_space<vmem>>, %arg5: memref<256x128xf32, #tpu.memory_space<vmem>>, %arg6: memref<512x128xf32, #tpu.memory_space<vmem>>, %arg7: memref<512x128xf32, #tpu.memory_space<vmem>>) attributes {dimension_semantics = [#tpu.dimension_semantics<arbitrary>], iteration_bounds = array<i64: 20>, scalar_prefetch = 0 : i64, scratch_operands = 0 : i64, tpu.core_type = #tpu.core_type<tc>, window_params = [{transform_indices = @transform_0, window_bounds = array<i64: 512, 128>}, {transform_indices = @transform_1, window_bounds = array<i64: 2, 512, 128>}, {transform_indices = @transform_2, window_bounds = array<i64: 2, 512, 1>}, {pipeline_mode = #tpu.pipeline_mode<synchronous>, transform_indices = @transform_3, window_bounds = array<i64: 128, 256>}, {pipeline_mode = #tpu.pipeline_mode<synchronous>, transform_indices = @transform_4, window_bounds = array<i64: 256, 128>}, {transform_indices = @transform_5, window_bounds = array<i64: 512, 128>}, {transform_indices = @transform_6, window_bounds = array<i64: 512, 128>}]} {
    %get3A = arith.constant 0 : index
    %get3A_0 = arith.constant 0 : index
    %get3A_1 = arith.constant 0 : index
    %get3A_2 = vector.load %arg3[%get3A, %get3A_0, %get3A_1] : memref<2x512x1xf32, #tpu.memory_space<vmem>>, vector<1x512x1xf32>
    %get3A_3 = vector.shape_cast %get3A_2 : vector<1x512x1xf32> to vector<512x1xf32>
    %get3A_4 = arith.constant 1 : index
    %get3A_5 = arith.constant 0 : index
    %get3A_6 = arith.constant 0 : index
    %get3A_7 = vector.load %arg3[%get3A_4, %get3A_5, %get3A_6] : memref<2x512x1xf32, #tpu.memory_space<vmem>>, vector<1x512x1xf32>
    %get3A_8 = vector.shape_cast %get3A_7 : vector<1x512x1xf32> to vector<512x1xf32>
    %add3A = arith.addf %get3A_3, %get3A_8 : vector<512x1xf32>
    %get3A_9 = arith.constant 0 : index
    %get3A_10 = arith.constant 0 : index
    %get3A_11 = arith.constant 0 : index
    %get3A_12 = vector.load %arg2[%get3A_9, %get3A_10, %get3A_11] : memref<2x512x128xf32, #tpu.memory_space<vmem>>, vector<1x512x128xf32>
    %get3A_13 = vector.shape_cast %get3A_12 : vector<1x512x128xf32> to vector<512x128xf32>
    %get3A_14 = arith.constant 1 : index
    %get3A_15 = arith.constant 0 : index
    %get3A_16 = arith.constant 0 : index
    %get3A_17 = vector.load %arg2[%get3A_14, %get3A_15, %get3A_16] : memref<2x512x128xf32, #tpu.memory_space<vmem>>, vector<1x512x128xf32>
    %get3A_18 = vector.shape_cast %get3A_17 : vector<1x512x128xf32> to vector<512x128xf32>
    %add3A_19 = arith.addf %get3A_13, %get3A_18 : vector<512x128xf32>
    %max3A = arith.constant 1.000000e+00 : f32
    %max3A_20 = vector.broadcast %max3A : f32 to vector<512x1xf32>
    %max3A_21 = arith.maximumf %add3A, %max3A_20 : vector<512x1xf32>
    %div3A = vector.broadcast %max3A_21 : vector<512x1xf32> to vector<512x128xf32>
    %div3A_22 = arith.divf %add3A_19, %div3A : vector<512x128xf32>
    %gt3A = arith.constant 0.000000e+00 : f32
    %gt3A_23 = vector.broadcast %gt3A : f32 to vector<512x1xf32>
    %gt3A_24 = arith.cmpf ogt, %add3A, %gt3A_23 : vector<512x1xf32>
    %get3A_25 = arith.constant 0 : index
    %get3A_26 = arith.constant 0 : index
    %get3A_27 = vector.load %arg1[%get3A_25, %get3A_26] : memref<512x128xf32, #tpu.memory_space<vmem>>, vector<512x128xf32>
    %broadcast_in_dim3A = vector.shape_cast %gt3A_24 : vector<512x1xi1> to vector<512x1xi1>
    %broadcast_in_dim3A_28 = vector.broadcast %broadcast_in_dim3A : vector<512x1xi1> to vector<512x128xi1>
    %select_n3A = arith.select %broadcast_in_dim3A_28, %div3A_22, %get3A_27 : vector<512x128xi1>, vector<512x128xf32>
    %swap3A = arith.constant 0 : index
    %swap3A_29 = arith.constant 0 : index
    %swap3A_30 = vector.load %arg6[%swap3A, %swap3A_29] : memref<512x128xf32, #tpu.memory_space<vmem>>, vector<512x128xf32>
    tpu.vector_store %arg6[%swap3A, %swap3A_29], %select_n3A {strides = array<i32>} : memref<512x128xf32, #tpu.memory_space<vmem>>, vector<512x128xf32>,
    %get3A_31 = arith.constant 0 : index
    %get3A_32 = arith.constant 0 : index
    %get3A_33 = vector.load %arg4[%get3A_31, %get3A_32] : memref<128x256xf32, #tpu.memory_space<vmem>>, vector<128x256xf32>
    %dot_general3A = arith.constant dense<0.000000e+00> : vector<512x256xf32>
    %dot_general3A_34 = tpu.matmul %select_n3A, %get3A_33, %dot_general3A {dimension_numbers = #tpu.dot_dimension_numbers<[1], [0], [0], [1], [0, 0, 1, 1], [], []>, transpose_lhs_hint = false} : vector<512x128xf32>, vector<128x256xf32>, vector<512x256xf32> -> vector<512x256xf32>
    %max3A_35 = arith.constant 0.000000e+00 : f32
    %max3A_36 = vector.broadcast %max3A_35 : f32 to vector<512x256xf32>
    %max3A_37 = arith.maximumf %dot_general3A_34, %max3A_36 : vector<512x256xf32>
    %get3A_38 = arith.constant 0 : index
    %get3A_39 = arith.constant 0 : index
    %get3A_40 = vector.load %arg5[%get3A_38, %get3A_39] : memref<256x128xf32, #tpu.memory_space<vmem>>, vector<256x128xf32>
    %dot_general3A_41 = arith.constant dense<0.000000e+00> : vector<512x128xf32>
    %dot_general3A_42 = tpu.matmul %max3A_37, %get3A_40, %dot_general3A_41 {dimension_numbers = #tpu.dot_dimension_numbers<[1], [0], [0], [1], [0, 0, 1, 1], [], []>, transpose_lhs_hint = false} : vector<512x256xf32>, vector<256x128xf32>, vector<512x128xf32> -> vector<512x128xf32>
    %swap3A_43 = arith.constant 0 : index
    %swap3A_44 = arith.constant 0 : index
    %swap3A_45 = vector.load %arg7[%swap3A_43, %swap3A_44] : memref<512x128xf32, #tpu.memory_space<vmem>>, vector<512x128xf32>
    tpu.vector_store %arg7[%swap3A_43, %swap3A_44], %dot_general3A_42 {strides = array<i32>} : memref<512x128xf32, #tpu.memory_space<vmem>>, vector<512x128xf32>,
    return
  }
  func.func @transform_0(%arg0: i32) -> (i32, i32) {
    %c0_i32 = arith.constant 0 : i32
    %c0_i32_0 = arith.constant 0 : i32
    return %arg0, %c0_i32 : i32, i32
  }
  func.func @transform_1(%arg0: i32) -> (i32, i32, i32) {
    %c0_i32 = arith.constant 0 : i32
    %c0_i32_0 = arith.constant 0 : i32
    %c0_i32_1 = arith.constant 0 : i32
    return %c0_i32, %arg0, %c0_i32_0 : i32, i32, i32
  }
  func.func @transform_2(%arg0: i32) -> (i32, i32, i32) {
    %c0_i32 = arith.constant 0 : i32
    %c0_i32_0 = arith.constant 0 : i32
    %c0_i32_1 = arith.constant 0 : i32
    return %c0_i32, %arg0, %c0_i32_0 : i32, i32, i32
  }
  func.func @transform_3(%arg0: i32) -> (i32, i32) {
    %c0_i32 = arith.constant 0 : i32
    %c0_i32_0 = arith.constant 0 : i32
    %c0_i32_1 = arith.constant 0 : i32
    return %c0_i32, %c0_i32_0 : i32, i32
  }
  func.func @transform_4(%arg0: i32) -> (i32, i32) {
    %c0_i32 = arith.constant 0 : i32
    %c0_i32_0 = arith.constant 0 : i32
    %c0_i32_1 = arith.constant 0 : i32
    return %c0_i32, %c0_i32_0 : i32, i32
  }
  func.func @transform_5(%arg0: i32) -> (i32, i32) {
    %c0_i32 = arith.constant 0 : i32
    %c0_i32_0 = arith.constant 0 : i32
    return %arg0, %c0_i32 : i32, i32
  }
  func.func @transform_6(%arg0: i32) -> (i32, i32) {
    %c0_i32 = arith.constant 0 : i32
    %c0_i32_0 = arith.constant 0 : i32
    return %arg0, %c0_i32 : i32, i32
  }
}

module attributes {stable_mosaic.version = 14 : i64} {
  func.func @_combine_block(%arg0: i32, %arg1: memref<512x128xf32, #tpu.memory_space<vmem>>, %arg2: memref<2x512x128xf32, #tpu.memory_space<vmem>>, %arg3: memref<2x512x1xf32, #tpu.memory_space<vmem>>, %arg4: memref<512x128xf32, #tpu.memory_space<vmem>>) attributes {dimension_semantics = [#tpu.dimension_semantics<arbitrary>], iteration_bounds = array<i64: 20>, scalar_prefetch = 0 : i64, scratch_operands = 0 : i64, tpu.core_type = #tpu.core_type<tc>, window_params = [{transform_indices = @transform_0, window_bounds = array<i64: 512, 128>}, {transform_indices = @transform_1, window_bounds = array<i64: 2, 512, 128>}, {transform_indices = @transform_2, window_bounds = array<i64: 2, 512, 1>}, {transform_indices = @transform_3, window_bounds = array<i64: 512, 128>}]} {
    %get3A = arith.constant 0 : index
    %get3A_0 = arith.constant 0 : index
    %get3A_1 = arith.constant 0 : index
    %get3A_2 = vector.load %arg3[%get3A, %get3A_0, %get3A_1] : memref<2x512x1xf32, #tpu.memory_space<vmem>>, vector<1x512x1xf32>
    %get3A_3 = vector.shape_cast %get3A_2 : vector<1x512x1xf32> to vector<512x1xf32>
    %get3A_4 = arith.constant 1 : index
    %get3A_5 = arith.constant 0 : index
    %get3A_6 = arith.constant 0 : index
    %get3A_7 = vector.load %arg3[%get3A_4, %get3A_5, %get3A_6] : memref<2x512x1xf32, #tpu.memory_space<vmem>>, vector<1x512x1xf32>
    %get3A_8 = vector.shape_cast %get3A_7 : vector<1x512x1xf32> to vector<512x1xf32>
    %add3A = arith.addf %get3A_3, %get3A_8 : vector<512x1xf32>
    %get3A_9 = arith.constant 0 : index
    %get3A_10 = arith.constant 0 : index
    %get3A_11 = arith.constant 0 : index
    %get3A_12 = vector.load %arg2[%get3A_9, %get3A_10, %get3A_11] : memref<2x512x128xf32, #tpu.memory_space<vmem>>, vector<1x512x128xf32>
    %get3A_13 = vector.shape_cast %get3A_12 : vector<1x512x128xf32> to vector<512x128xf32>
    %get3A_14 = arith.constant 1 : index
    %get3A_15 = arith.constant 0 : index
    %get3A_16 = arith.constant 0 : index
    %get3A_17 = vector.load %arg2[%get3A_14, %get3A_15, %get3A_16] : memref<2x512x128xf32, #tpu.memory_space<vmem>>, vector<1x512x128xf32>
    %get3A_18 = vector.shape_cast %get3A_17 : vector<1x512x128xf32> to vector<512x128xf32>
    %add3A_19 = arith.addf %get3A_13, %get3A_18 : vector<512x128xf32>
    %max3A = arith.constant 1.000000e+00 : f32
    %max3A_20 = vector.broadcast %max3A : f32 to vector<512x1xf32>
    %max3A_21 = arith.maximumf %add3A, %max3A_20 : vector<512x1xf32>
    %div3A = vector.broadcast %max3A_21 : vector<512x1xf32> to vector<512x128xf32>
    %div3A_22 = arith.divf %add3A_19, %div3A : vector<512x128xf32>
    %gt3A = arith.constant 0.000000e+00 : f32
    %gt3A_23 = vector.broadcast %gt3A : f32 to vector<512x1xf32>
    %gt3A_24 = arith.cmpf ogt, %add3A, %gt3A_23 : vector<512x1xf32>
    %get3A_25 = arith.constant 0 : index
    %get3A_26 = arith.constant 0 : index
    %get3A_27 = vector.load %arg1[%get3A_25, %get3A_26] : memref<512x128xf32, #tpu.memory_space<vmem>>, vector<512x128xf32>
    %broadcast_in_dim3A = vector.shape_cast %gt3A_24 : vector<512x1xi1> to vector<512x1xi1>
    %broadcast_in_dim3A_28 = vector.broadcast %broadcast_in_dim3A : vector<512x1xi1> to vector<512x128xi1>
    %select_n3A = arith.select %broadcast_in_dim3A_28, %div3A_22, %get3A_27 : vector<512x128xi1>, vector<512x128xf32>
    %swap3A = arith.constant 0 : index
    %swap3A_29 = arith.constant 0 : index
    %swap3A_30 = vector.load %arg4[%swap3A, %swap3A_29] : memref<512x128xf32, #tpu.memory_space<vmem>>, vector<512x128xf32>
    tpu.vector_store %arg4[%swap3A, %swap3A_29], %select_n3A {strides = array<i32>} : memref<512x128xf32, #tpu.memory_space<vmem>>, vector<512x128xf32>,
    return
  }
  func.func @transform_0(%arg0: i32) -> (i32, i32) {
    %c0_i32 = arith.constant 0 : i32
    %c0_i32_0 = arith.constant 0 : i32
    return %arg0, %c0_i32 : i32, i32
  }
  func.func @transform_1(%arg0: i32) -> (i32, i32, i32) {
    %c0_i32 = arith.constant 0 : i32
    %c0_i32_0 = arith.constant 0 : i32
    %c0_i32_1 = arith.constant 0 : i32
    return %c0_i32, %arg0, %c0_i32_0 : i32, i32, i32
  }
  func.func @transform_2(%arg0: i32) -> (i32, i32, i32) {
    %c0_i32 = arith.constant 0 : i32
    %c0_i32_0 = arith.constant 0 : i32
    %c0_i32_1 = arith.constant 0 : i32
    return %c0_i32, %arg0, %c0_i32_0 : i32, i32, i32
  }
  func.func @transform_3(%arg0: i32) -> (i32, i32) {
    %c0_i32 = arith.constant 0 : i32
    %c0_i32_0 = arith.constant 0 : i32
    return %arg0, %c0_i32 : i32, i32
  }
}

</mosaic_0001>

<sc_bundles>
// kernel: kernel.10.cloned.1.call-start
scs
__scs_entry_jumppad:
0x0: {  	(pc) =	sbr.rel $0x88, $3  }
0x1: {  	(tag) =	ssettag $0x0;
	lr =	simm.s32 $0x1  }
0x2: {  	[smem:$0x3F9A] =	sst lr;
	_ =	strace $0xD0000000  }
0x3: {  	_ = 	snop  }
0x4: {  	_ = 	snop  }
0x5: {  	_ = 	snop  }
0x6: {  	_ = 	snop  }
0x7: {  	_ = 	snop  }
__scs_overlays_trampoline_lowered:
0x8: {  	[smem:$0x3FA9] =	sst s0  }
0x9: {  	[smem:$0x3FAA] =	sst s1  }
0xa: {  	[smem:$0x3FAB] =	sst s2  }
0xb: {  	[smem:$0x3FAC] =	sst s3  }
0xc: {  	[smem:$0x3FAD] =	sst s4  }
0xd: {  	[smem:$0x3FAE] =	sst s5  }
0xe: {  	[smem:$0x3FAF] =	sst s6  }
0xf: {  	[smem:$0x3FB0] =	sst s7  }
0x10: {  	[smem:$0x3FB1] =	sst s8  }
0x11: {  	[smem:$0x3FB2] =	sst s9;
	s0 =	simm.s32 @!p0 $0x0  }
0x12: {  	s1 =	sld [smem:$0x3F98];
	s0 =	simm.s32 @p0 $0x1  }
0x13: {  	[smem:$0x3FB3] =	sst s0;
	s0 =	simm.s32 @!p1 $0x0  }
0x14: {  	s2 =	sld [smem:$0x3F97];
	s0 =	simm.s32 @p1 $0x1  }
0x15: {  	[smem:$0x3FB4] =	sst s0;
	s0 =	simm.s32 @!p2 $0x0  }
0x16: {  	s3 =	sld [smem:$0x3FDB];
	s0 =	simm.s32 @p2 $0x1  }
0x17: {  	s4 =	simm.s32 $0x1BF5;
	[smem:$0x3FB6] =	sst s0  }
0x18: {  	s0 =	sld [smem:$0x3F99];
	_ =	swait.ge [sflag:s4], $0x0  }
0x19: {  	s7 =	sld [smem:$0x3F9A]  }
0x1a: {  	s8 =	sadd.s32 $0xFFFFE003, lr  }
0x1b: {  	s9 =	sadd.s32 $0xFFFFFEF7, lr;
	s5 =	simm.s32 $0xFFFFFFFF;
	p2 =	slt.u32 s8, $0xFFFFF086  }
0x1c: {  	p1 =	slt.u32 s9, $0xF7A;
	s5 =	simm.s32 @!p2 $0x0  }
0x1d: {  	s5 =	simm.s32 @p1 $0x1;
	p0 =	seq.s32 s7, s2  }
0x1e: {  	s7 =	smul.u32 @!p0 $0xF7A, s2;
	p2 =	seq.s32 @!p0 s5, $0x0  }
0x1f: {  	s9 =	smul.u32 $0xF7A, s1;
	s8 =	simm.s32 @!p0 $0x1BF5;
	p2 =	por !p2, p0  }
0x20: {  	[sflag:s8] =	ssyncset.s32 @!p0 $0xFFFFF086;
	s6 =	sadd.s32 @!p0 s3, s7;
	s7 =	simm.s32 @!p0 $0x108  }
0x21: {  	s3 =	sadd.s32 s3, s9;
	s6 =	sadd.s32 @!p0 $0x88, s6;
	s7 =	simm.s32 @p2 $0x1082  }
0x22: {  	[simem:s7], [sflag:s8] =	dma.local @!p0 [hbm:s6], $0xF7A  }
0x23: {  	s9 =	sor.u32 $0xD0000000, s2;
	s6 =	simm.s32 $0x108;
	_ =	swait.ge @!p0 [sflag:s8], $0x0  }
0x24: {  	s3 =	sadd.s32 $0x88, s3;
	s6 =	simm.s32 @!p1 $0x1082;
	[sflag:s4] =	ssyncset.s32 $0xFFFFF086  }
0x25: {  	[simem:s6], [sflag:s4] =	dma.local [hbm:s3], $0xF7A  }
0x26: {  	[smem:$0x3F9A] =	sst s1;
	(tag) =	ssettag s2;
	_ =	strace s9  }
0x27: {  	s1 =	sld [smem:$0x3FAA]  }
0x28: {  	s2 =	sld [smem:$0x3FAB]  }
0x29: {  	s4 =	sld [smem:$0x3FAD]  }
0x2a: {  	p0 =	seq.s32 s5, $0x0;
	s5 =	sld [smem:$0x3FAE]  }
0x2b: {  	s6 =	sld [smem:$0x3FAF]  }
0x2c: {  	s7 =	sld [smem:$0x3FB0]  }
0x2d: {  	s3 =	simm.s32 $0x108;
	s8 =	sld [smem:$0x3FB1]  }
0x2e: {  	s3 =	simm.s32 @!p0 $0x1082;
	s9 =	sld [smem:$0x3FB2]  }
0x2f: {  	lr =	sadd.s32 s0, s3;
	s0 =	sld [smem:$0x3FA9]  }
0x30: {  	s3 =	sld [smem:$0x3FAC]  }
0x31: {  	[smem:$0x3FB5] =	sst s10  }
0x32: {  	s10 =	sld [smem:$0x3FB3];
	_ =	sdelay $0x3  }
0x33: {  	p0 =	seq.s32 s10, $0x1;
	s10 =	sld [smem:$0x3FB5];
	_ =	sdelay $0x3  }
0x34: {  	[smem:$0x3FB5] =	sst s10  }
0x35: {  	s10 =	sld [smem:$0x3FB4];
	_ =	sdelay $0x3  }
0x36: {  	p1 =	seq.s32 s10, $0x1;
	s10 =	sld [smem:$0x3FB5];
	_ =	sdelay $0x3  }
0x37: {  	[smem:$0x3FB5] =	sst s10  }
0x38: {  	s10 =	sld [smem:$0x3FB6]  }
0x39: {  	_ = 	snop;
	(pc) =	sbr.ind lr, $3  }
0x3a: {  	_ = 	snop  }
0x3b: {  	_ = 	snop  }
0x3c: {  	p2 =	seq.s32 s10, $0x1;
	s10 =	sld [smem:$0x3FB5]  }
0x3d: {  	_ =	shalt  }
0x3e: {  	_ =	shalt  }
0x3f: {  	_ =	shalt  }
0x40: {  	_ =	shalt  }
0x41: {  	_ =	shalt  }
0x42: {  	_ =	shalt  }
0x43: {  	_ =	shalt  }
0x44: {  	_ =	shalt  }
0x45: {  	_ =	shalt  }
0x46: {  	_ =	shalt  }
0x47: {  	_ =	shalt  }
0x48: {  	_ =	shalt  }
0x49: {  	_ =	shalt  }
0x4a: {  	_ =	shalt  }
0x4b: {  	_ =	shalt  }
0x4c: {  	_ =	shalt  }
0x4d: {  	_ =	shalt  }
0x4e: {  	_ =	shalt  }
0x4f: {  	_ =	shalt  }
0x50: {  	_ =	shalt  }
0x51: {  	_ =	shalt  }
0x52: {  	_ =	shalt  }
0x53: {  	_ =	shalt  }
0x54: {  	_ =	shalt  }
0x55: {  	_ =	shalt  }
0x56: {  	_ =	shalt  }
0x57: {  	_ =	shalt  }
0x58: {  	_ =	shalt  }
0x59: {  	_ =	shalt  }
0x5a: {  	_ =	shalt  }
0x5b: {  	_ =	shalt  }
0x5c: {  	_ =	shalt  }
0x5d: {  	_ =	shalt  }
0x5e: {  	_ =	shalt  }
0x5f: {  	_ =	shalt  }
0x60: {  	_ =	shalt  }
0x61: {  	_ =	shalt  }
0x62: {  	_ =	shalt  }
0x63: {  	_ =	shalt  }
0x64: {  	_ =	shalt  }
0x65: {  	_ =	shalt  }
0x66: {  	_ =	shalt  }
0x67: {  	_ =	shalt  }
0x68: {  	_ =	shalt  }
0x69: {  	_ =	shalt  }
0x6a: {  	_ =	shalt  }
0x6b: {  	_ =	shalt  }
0x6c: {  	_ =	shalt  }
0x6d: {  	_ =	shalt  }
0x6e: {  	_ =	shalt  }
0x6f: {  	_ =	shalt  }
0x70: {  	_ =	shalt  }
0x71: {  	_ =	shalt  }
0x72: {  	_ =	shalt  }
0x73: {  	_ =	shalt  }
0x74: {  	_ =	shalt  }
0x75: {  	_ =	shalt  }
0x76: {  	_ =	shalt  }
0x77: {  	_ =	shalt  }
0x78: {  	_ =	shalt  }
0x79: {  	_ =	shalt  }
0x7a: {  	_ =	shalt  }
0x7b: {  	_ =	shalt  }
0x7c: {  	_ =	shalt  }
0x7d: {  	_ =	shalt  }
0x7e: {  	_ =	shalt  }
0x7f: {  	_ =	shalt  }
0x80: {  	_ =	shalt  }
0x81: {  	_ =	shalt  }
0x82: {  	_ =	shalt  }
0x83: {  	_ =	shalt  }
0x84: {  	_ =	shalt  }
0x85: {  	_ =	shalt  }
0x86: {  	_ =	shalt  }
0x87: {  	_ =	shalt  }
.Lfunc_end0:
.L_simem_size_0:
called_computation.1_lowered:
.L_overlay_start_0:
0x88: {  	s2 =	sld [smem:$0x3FD9]  }
0x89: {  	s3 =	sld [smem:$0x3FFE];
	_ =	sdelay $0x1  }
0x8a: {  	s1 =	srdreg.scid  }
0x8b: {  	s0 =	sand.u32 $0x1, s1  }
0x8c: {  	s17 =	sshll.u32 s0, $0xA;
	s2 =	sadd.s32 s3, s2  }
0x8d: {  	s2 =	sadd.s32 s2, s17  }
0x8e: {  	[smem:$0x3FC1] =	sst s2  }
0x8f: {  	_ = 	snop  }
0x90: {  	s2 =	sld [smem:$0x3FD0];
	(tm) =	ssettm $0x1  }
0x91: {  	s18 =	sld [smem:$0x3FFB];
	_ =	sdelay $0x3  }
0x92: {  	_ =	strace s18  }
0x93: {  	s3 =	sld [smem:$0x3FFC];
	_ =	sdelay $0x3  }
0x94: {  	_ =	strace s3  }
0x95: {  	s3 =	sld [smem:$0x3FFD];
	_ =	sdelay $0x3  }
0x96: {  	_ =	strace s3  }
0x97: {  	_ =	strace $0x8FFFFFFF  }
0x98: {  	s19 =	sld [smem:$0x3FDB];
	_ =	sdelay $0x1  }
0x99: {  	s4 =	simm.s32 $_scs_section_size  }
0x9a: {  	s5 =	simm.s32 $_size__tile_overlayer_lowered;
	s6 =	simm.s32 $_tile_overlayer_lowered  }
0x9b: {  	s22 =	simm.s32 $0x1BFF;
	s21 =	sshll.u32 s6, $0x1;
	s3 =	sadd.s32 s4, s19  }
0x9c: {  	s7 =	simm.s32 $0x0;
	s20 =	sshll.u32 s5, $0x1;
	s5 =	sadd.s32 s21, s3  }
0x9d: {  	[timem:s7], [sflag:s22] =	dma.local [hbm:s5], s20  }
0x9e: {  	_ =	swait.ge [sflag:s22], s20  }
0x9f: {  	s4 =	ssub.s32 $0x0, s20;
	[sflag:s22] =	ssyncset.done $0x0  }
0xa0: {  	[sflag:s22] =	ssyncadd.s32 s4;
	_ =	sdelay $0x1  }
0xa1: {  	s23 =	simm.s32 $0x1B8B  }
0xa2: {  	_ =	swait.ge [sflag:s23], $0x1  }
0xa3: {  	[sflag:s23] =	ssyncset.done $0x0  }
0xa4: {  	s25 =	simm.s32 $0x1B8E;
	s24 =	sld [smem:$0x3FFE];
	[sflag:s23] =	ssyncadd.s32 $0xFFFFFFFF  }
0xa5: {  	s26 =	simm.s32 $execute0_lowered;
	[smem:$0x3FD2] =	sst s25  }
0xa6: {  	s5 =	sshll.u32 s26, $0x1;
	_ =	strace $0x80000049;
	[dreg:$0x1] =	wrdreg $0xFFFFFFFF  }
0xa7: {  	s28 =	simm.s32 $_size_execute0_lowered;
	s3 =	sadd.s32 s3, s5;
	[dreg:$0x0] =	wrdreg $0x0  }
0xa8: {  	s5 =	sshll.u32 s28, $0x1;
	[dreg:$0x2] =	wrdreg s3  }
0xa9: {  	[dreg:$0x3] =	wrdreg s5  }
0xaa: {  	[dreg:$0x4] =	wrdreg $0xC0  }
0xab: {  	_ =	task [dreg:s7], $0x5FFFF  }
0xac: {  	[dreg:$0x1] =	wrdreg $0xFFFFFFFF  }
0xad: {  	[dreg:$0x0] =	wrdreg $0x60  }
0xae: {  	[dreg:$0x2] =	wrdreg s24  }
0xaf: {  	[dreg:$0x3] =	wrdreg s2  }
0xb0: {  	[dreg:$0x4] =	wrdreg $0x0  }
0xb1: {  	[dreg:$0x5] =	wrdreg $0x140000  }
0xb2: {  	[dreg:$0x6] =	wrdreg $0x9  }
0xb3: {  	_ =	task.clear_ibuf [dreg:s7], $0x7FFFF;
	_ =	strace $0x90000049  }
0xb4: {  	s29 =	simm.s32 $0x9;
	_ =	strace $0x8000004B  }
0xb5: {  	_ =	swait.ge [sflag:s29], $0x1  }
0xb6: {  	[sflag:s29] =	ssyncadd.s32 $0xFFFFFFFF  }
0xb7: {  	_ =	strace $0x9000004B  }
0xb8: {  	_ =	sfence  }
0xb9: {  	s30 =	sld [smem:$0x0];
	_ =	sdelay $0x2  }
0xba: {  	s31 =	sshll.u32 s1, $0xD;
	s1 =	sshrl.u32 s1, $0x2  }
0xbb: {  	s3 =	sand.u32 $0x4000, s31;
	s1 =	sadd.s32 s1, s30  }
0xbc: {  	s0 =	sor.u32 s3, s0;
	s1 =	sshll.u32 s1, $0x11  }
0xbd: {  	s0 =	sor.u32 s1, s0  }
0xbe: {  	s0 =	sadd.s32 $0x8F2B, s0  }
0xbf: {  	[sflag:s0] =	ssyncadd.remote.s32 $0x1  }
0xc0: {  	_ =	sfence.sel $0xFFFF  }
0xc1: {  	[dreg:$0x0] =	wrdreg $0xFFFFFFFF;
	(pc) =	sbr.abs _section_cstart, $3  }
0xc2: {  	[dreg:$0x1] =	wrdreg $0xFFFFFFFF  }
0xc3: {  	_ =	task.clear_ibuf [dreg:s7], $0x2FFFF;
	_ =	strace $0x9FFFFFFF  }
0xc4: {  	(tm) =	ssettm $0x7FFFFFFF  }
0xc5: {  	_ =	shalt  }
tec
execute0_lowered:
.L_overlay_start_1:
0x0: {  	(tag) =	ssettag $0x1  }
0x1: {  	s0 =	rddreg [dreg:$0x0]  }
0x2: {  	s4 =	rddreg [dreg:$0x1]  }
0x3: {  	s1 =	rddreg [dreg:$0x2];
	s3 =	srdreg.scid  }
0x4: {  	s2 =	rddreg [dreg:$0x3];
	s14 =	stileid.u32;
	s7 =	sand.u32 $0x1, s3  }
0x5: {  	s3 =	simm.s32 $0x0;
	s5 =	sadd.s32 $0x2A000, s0;
	s13 =	smul.u32 $0x280, s14  }
0x6: {  	s6 =	sadd.s32 $0x52000, s0;
	s8 =	sadd.s32 $0x52600, s0;
	s22 =	smul.u32 $0x50, s14  }
0x7: {  	s23 =	sadd.s32 $0x52E00, s0;
	s30 =	sadd.s32 $0x52010, s0;
	s31 =	sadd.s32 $0x52020, s0  }
0x8: {  	s14 =	sadd.s32 $0x52060, s0;
	s20 =	sadd.s32 $0x52070, s0;
	[smem:$0x7FF] =	sst s3  }
0x9: {  	s21 =	sadd.s32 $0x52080, s0;
	_ =	strace $0x8000004A;
	[dreg:$0x5] =	wrdreg s8  }
0xa: {  	s9 =	smul.u32 $0x2800, s7;
	s10 =	ssub.s32 $0x2, s7;
	[dreg:$0xc] =	wrdreg s30  }
0xb: {  	s7 =	smul.u32 $0x5000, s7;
	s12 =	sshrl.u32 s10, $0x1;
	[dreg:$0xd] =	wrdreg s31  }
0xc: {  	s8 =	sadd.s32 $0x1E00, s0;
	s15 =	sadd.s32 $0x80, s13;
	[dreg:$0x11] =	wrdreg s14  }
0xd: {  	s18 =	sadd.s32 $0x100, s13;
	s28 =	sadd.s32 $0x180, s13;
	[dreg:$0x12] =	wrdreg s20  }
0xe: {  	s19 =	sadd.s32 $0x200, s13;
	[dreg:$0x13] =	wrdreg s21;
	s20 =	simm.s32 $0x16800  }
0xf: {  	s21 =	simm.s32 $0x16900;
	s11 =	sadd.s32 s9, s0;
	s10 =	ssub.s32 s10, s12  }
0x10: {  	s24 =	sadd.s32 s9, s13;
	s16 =	sadd.s32 s9, s15;
	s26 =	sadd.s32 s9, s18  }
0x11: {  	s29 =	sadd.s32 s9, s28;
	s9 =	sadd.s32 s9, s19;
	s17 =	sadd.s32 s7, s4  }
0x12: {  	s7 =	sadd.s32 $0x52030, s0;
	s28 =	sshrl.u32 s28, $0x3;
	s10 =	smax.u32 s10, $0x1  }
0x13: {  	s12 =	sshll.u32 s24, $0x4;
	s16 =	sshll.u32 s16, $0x4;
	s9 =	sshll.u32 s9, $0x4  }
0x14: {  	[dreg:$0xe] =	wrdreg s7;
	s24 =	sshrl.u32 s15, $0x3;
	s15 =	simm.s32 $0x16A00  }
0x15: {  	[dreg:$0x6] =	wrdreg s10;
	s10 =	sadd.s32 s6, s22;
	s12 =	sadd.s32 s23, s12  }
0x16: {  	s25 =	sadd.s32 s23, s16;
	s9 =	sadd.s32 s23, s9;
	[dreg:$0x7] =	wrdreg s12  }
0x17: {  	s22 =	sadd.s32 s13, s11;
	s16 =	simm.s32 $0x3;
	[dreg:$0x8] =	wrdreg s25  }
0x18: {  	s12 =	sshll.u32 s26, $0x4;
	[dreg:$0xb] =	wrdreg s9;
	s9 =	sadd.s32 $0x52040, s0  }
0x19: {  	s25 =	sadd.s32 s6, s24;
	s26 =	sshrl.u32 s18, $0x3;
	s4 =	sadd.s32 $0x25000, s22  }
0x1a: {  	s7 =	sadd.s32 $0x16000, s22;
	s31 =	sadd.s32 $0x10, s10;
	[dreg:$0xf] =	wrdreg s9  }
0x1b: {  	s14 =	sadd.s32 $0x40, s10;
	s18 =	simm.s32 $0x16880;
	[dreg:$0x16] =	wrdreg s25  }
0x1c: {  	s24 =	simm.s32 $0x1;
	s12 =	sadd.s32 s23, s12;
	[dreg:$0x1a] =	wrdreg s31  }
0x1d: {  	s9 =	sadd.s32 $0x11000, s22;
	[dreg:$0x9] =	wrdreg s12;
	s12 =	sshll.u32 s29, $0x4  }
0x1e: {  	s25 =	simm.s32 $0x2;
	s29 =	sshrl.u32 s19, $0x3;
	s12 =	sadd.s32 s23, s12  }
0x1f: {  	s19 =	simm.s32 $0x80;
	s30 =	sadd.s32 s6, s29;
	[dreg:$0xa] =	wrdreg s12  }
0x20: {  	s23 =	sshrl.u32 s13, $0x3;
	s12 =	sadd.s32 $0x52050, s0;
	[dreg:$0x19] =	wrdreg s30  }
0x21: {  	s13 =	sadd.s32 $0x30, s10;
	s0 =	sadd.s32 $0x52090, s0;
	[dreg:$0x10] =	wrdreg s12  }
0x22: {  	[dreg:$0x14] =	wrdreg s0;
	s0 =	sadd.s32 s6, s23;
	s12 =	sadd.s32 $0x20, s10  }
0x23: {  	s23 =	simm.s32 $0x1AA00;
	[dreg:$0x15] =	wrdreg s0;
	s0 =	sadd.s32 s6, s26  }
0x24: {  	s26 =	simm.s32 $0x0;
	[dreg:$0x17] =	wrdreg s0;
	s0 =	sadd.s32 s6, s28  }
0x25: {  	[dreg:$0x18] =	wrdreg s0;
	s0 =	sadd.s32 $0xC000, s22;
	s22 =	simm.s32 $0x16980  }
.LBB2_1:
0x26: {  	s11 =	rddreg [dreg:$0x5]  }
0x27: {  	[tilespmem:s15], [sflag:$0x3] =	stream.linear.gather [hbm4b:s11+s3], $0x4000, $0x38;
	[tilespmem:$0x1EA00] =	vst v63  }
0x28: {  	_ =	swait.ge [sflag:s16], $0x4000  }
0x29: {  	[sflag:s16] =	ssyncset.done $0x0  }
0x2a: {  	[sflag:s16] =	ssyncadd.s32 $0xFFFFC000  }
0x2b: {  	[tilespmem:s18], [sflag:$0x3] =	stream.linear.gather [hbm4b:s10+s3], $0x80, $0x38;
	[tilespmem:$0x1EA00] =	vst v63  }
0x2c: {  	_ =	swait.ge [sflag:s16], $0x80  }
0x2d: {  	[sflag:s16] =	ssyncset.done $0x0  }
0x2e: {  	[sflag:s16] =	ssyncadd.s32 $0xFFFFFF80  }
0x2f: {  	[spmem:s1] =	stream.indirect.scatter [tilespmem:s15], [sflag:$0x3], $0x80, s18, s19, $0xb8;
	[tilespmem:$0x1EA00] =	vst v63  }
0x30: {  	_ =	swait.ge [sflag:s16], $0x4000  }
0x31: {  	[sflag:s16] =	ssyncset.done $0x0  }
0x32: {  	s29 =	rddreg [dreg:$0x1a];
	[sflag:s16] =	ssyncadd.s32 $0xFFFFC000  }
0x33: {  	[tilespmem:s18], [sflag:$0x3] =	stream.linear.gather [hbm4b:s29+s3], $0x80, $0x38;
	[tilespmem:$0x1EA00] =	vst v63  }
0x34: {  	_ =	swait.ge [sflag:s16], $0x80  }
0x35: {  	[sflag:s16] =	ssyncset.done $0x0  }
0x36: {  	[sflag:s16] =	ssyncadd.s32 $0xFFFFFF80  }
0x37: {  	[spmem:s1] =	stream.indirect.scatter [tilespmem:s15], [sflag:$0x3], $0x80, s18, s19, $0xb8;
	[tilespmem:$0x1EA00] =	vst v63  }
0x38: {  	_ =	swait.ge [sflag:s16], $0x4000  }
0x39: {  	[sflag:s16] =	ssyncset.done $0x0  }
0x3a: {  	[sflag:s16] =	ssyncadd.s32 $0xFFFFC000  }
0x3b: {  	[tilespmem:s18], [sflag:$0x3] =	stream.linear.gather [hbm4b:s12+s3], $0x80, $0x38;
	[tilespmem:$0x1EA00] =	vst v63  }
0x3c: {  	_ =	swait.ge [sflag:s16], $0x80  }
0x3d: {  	[sflag:s16] =	ssyncset.done $0x0  }
0x3e: {  	[sflag:s16] =	ssyncadd.s32 $0xFFFFFF80  }
0x3f: {  	[spmem:s1] =	stream.indirect.scatter [tilespmem:s15], [sflag:$0x3], $0x80, s18, s19, $0xb8;
	[tilespmem:$0x1EA00] =	vst v63  }
0x40: {  	_ =	swait.ge [sflag:s16], $0x4000  }
0x41: {  	[sflag:s16] =	ssyncset.done $0x0  }
0x42: {  	[sflag:s16] =	ssyncadd.s32 $0xFFFFC000  }
0x43: {  	[tilespmem:s18], [sflag:$0x3] =	stream.linear.gather [hbm4b:s13+s3], $0x80, $0x38;
	[tilespmem:$0x1EA00] =	vst v63  }
0x44: {  	_ =	swait.ge [sflag:s16], $0x80  }
0x45: {  	[sflag:s16] =	ssyncset.done $0x0  }
0x46: {  	[sflag:s16] =	ssyncadd.s32 $0xFFFFFF80  }
0x47: {  	[spmem:s1] =	stream.indirect.scatter [tilespmem:s15], [sflag:$0x3], $0x80, s18, s19, $0xb8;
	[tilespmem:$0x1EA00] =	vst v63  }
0x48: {  	_ =	swait.ge [sflag:s16], $0x4000  }
0x49: {  	[sflag:s16] =	ssyncset.done $0x0  }
0x4a: {  	[sflag:s16] =	ssyncadd.s32 $0xFFFFC000  }
0x4b: {  	[tilespmem:s18], [sflag:$0x3] =	stream.linear.gather [hbm4b:s14+s3], $0x80, $0x38;
	[tilespmem:$0x1EA00] =	vst v63  }
0x4c: {  	_ =	swait.ge [sflag:s16], $0x80  }
0x4d: {  	[sflag:s16] =	ssyncset.done $0x0  }
0x4e: {  	[sflag:s16] =	ssyncadd.s32 $0xFFFFFF80  }
0x4f: {  	[spmem:s1] =	stream.indirect.scatter [tilespmem:s15], [sflag:$0x3], $0x80, s18, s19, $0xb8;
	[tilespmem:$0x1EA00] =	vst v63  }
0x50: {  	_ =	swait.ge [sflag:s16], $0x4000  }
0x51: {  	[sflag:s16] =	ssyncset.done $0x0  }
0x52: {  	[sflag:s16] =	ssyncadd.s32 $0xFFFFC000  }
0x53: {  	[tilespmem:s18], [sflag:$0x3] =	stream.linear.gather [hbm4b:s6+s3], $0x80, $0x38;
	[tilespmem:$0x1EA00] =	vst v63  }
0x54: {  	_ =	swait.ge [sflag:s16], $0x80  }
0x55: {  	[sflag:s16] =	ssyncset.done $0x0  }
0x56: {  	[sflag:s16] =	ssyncadd.s32 $0xFFFFFF80  }
0x57: {  	[spmem:s2] =	stream.indirect.scatter [tilespmem:s15], [sflag:$0x3], $0x80, s18, s19, $0xb8;
	[tilespmem:$0x1EA00] =	vst v63  }
0x58: {  	_ =	swait.ge [sflag:s16], $0x4000  }
0x59: {  	[sflag:s16] =	ssyncset.done $0x0  }
0x5a: {  	s31 =	rddreg [dreg:$0xc];
	[sflag:s16] =	ssyncadd.s32 $0xFFFFC000  }
0x5b: {  	[tilespmem:s18], [sflag:$0x3] =	stream.linear.gather [hbm4b:s31+s3], $0x80, $0x38;
	[tilespmem:$0x1EA00] =	vst v63  }
0x5c: {  	_ =	swait.ge [sflag:s16], $0x80  }
0x5d: {  	[sflag:s16] =	ssyncset.done $0x0  }
0x5e: {  	[sflag:s16] =	ssyncadd.s32 $0xFFFFFF80  }
0x5f: {  	[spmem:s2] =	stream.indirect.scatter [tilespmem:s15], [sflag:$0x3], $0x80, s18, s19, $0xb8;
	[tilespmem:$0x1EA00] =	vst v63  }
0x60: {  	_ =	swait.ge [sflag:s16], $0x4000  }
0x61: {  	[sflag:s16] =	ssyncset.done $0x0  }
0x62: {  	s29 =	rddreg [dreg:$0xd];
	[sflag:s16] =	ssyncadd.s32 $0xFFFFC000  }
0x63: {  	[tilespmem:s18], [sflag:$0x3] =	stream.linear.gather [hbm4b:s29+s3], $0x80, $0x38;
	[tilespmem:$0x1EA00] =	vst v63  }
0x64: {  	_ =	swait.ge [sflag:s16], $0x80  }
0x65: {  	[sflag:s16] =	ssyncset.done $0x0  }
0x66: {  	[sflag:s16] =	ssyncadd.s32 $0xFFFFFF80  }
0x67: {  	[spmem:s2] =	stream.indirect.scatter [tilespmem:s15], [sflag:$0x3], $0x80, s18, s19, $0xb8;
	[tilespmem:$0x1EA00] =	vst v63  }
0x68: {  	_ =	swait.ge [sflag:s16], $0x4000  }
0x69: {  	[sflag:s16] =	ssyncset.done $0x0  }
0x6a: {  	s31 =	rddreg [dreg:$0xe];
	[sflag:s16] =	ssyncadd.s32 $0xFFFFC000  }
0x6b: {  	[tilespmem:s18], [sflag:$0x3] =	stream.linear.gather [hbm4b:s31+s3], $0x80, $0x38;
	[tilespmem:$0x1EA00] =	vst v63  }
0x6c: {  	_ =	swait.ge [sflag:s16], $0x80  }
0x6d: {  	[sflag:s16] =	ssyncset.done $0x0  }
0x6e: {  	[sflag:s16] =	ssyncadd.s32 $0xFFFFFF80  }
0x6f: {  	[spmem:s2] =	stream.indirect.scatter [tilespmem:s15], [sflag:$0x3], $0x80, s18, s19, $0xb8;
	[tilespmem:$0x1EA00] =	vst v63  }
0x70: {  	_ =	swait.ge [sflag:s16], $0x4000  }
0x71: {  	[sflag:s16] =	ssyncset.done $0x0  }
0x72: {  	s29 =	rddreg [dreg:$0xf];
	[sflag:s16] =	ssyncadd.s32 $0xFFFFC000  }
0x73: {  	[tilespmem:s18], [sflag:$0x3] =	stream.linear.gather [hbm4b:s29+s3], $0x80, $0x38;
	[tilespmem:$0x1EA00] =	vst v63  }
0x74: {  	_ =	swait.ge [sflag:s16], $0x80  }
0x75: {  	[sflag:s16] =	ssyncset.done $0x0  }
0x76: {  	[sflag:s16] =	ssyncadd.s32 $0xFFFFFF80  }
0x77: {  	[spmem:s2] =	stream.indirect.scatter [tilespmem:s15], [sflag:$0x3], $0x80, s18, s19, $0xb8;
	[tilespmem:$0x1EA00] =	vst v63  }
0x78: {  	_ =	swait.ge [sflag:s16], $0x4000  }
0x79: {  	[sflag:s16] =	ssyncset.done $0x0  }
0x7a: {  	s31 =	rddreg [dreg:$0x10];
	[sflag:s16] =	ssyncadd.s32 $0xFFFFC000  }
0x7b: {  	[tilespmem:s18], [sflag:$0x3] =	stream.linear.gather [hbm4b:s31+s3], $0x80, $0x38;
	[tilespmem:$0x1EA00] =	vst v63  }
0x7c: {  	_ =	swait.ge [sflag:s16], $0x80  }
0x7d: {  	[sflag:s16] =	ssyncset.done $0x0  }
0x7e: {  	[sflag:s16] =	ssyncadd.s32 $0xFFFFFF80  }
0x7f: {  	[spmem:s2] =	stream.indirect.scatter [tilespmem:s15], [sflag:$0x3], $0x80, s18, s19, $0xb8;
	[tilespmem:$0x1EA00] =	vst v63  }
0x80: {  	_ =	swait.ge [sflag:s16], $0x4000  }
0x81: {  	[sflag:s16] =	ssyncset.done $0x0  }
0x82: {  	s29 =	rddreg [dreg:$0x11];
	[sflag:s16] =	ssyncadd.s32 $0xFFFFC000  }
0x83: {  	[tilespmem:s18], [sflag:$0x3] =	stream.linear.gather [hbm4b:s29+s3], $0x80, $0x38;
	[tilespmem:$0x1EA00] =	vst v63  }
0x84: {  	_ =	swait.ge [sflag:s16], $0x80  }
0x85: {  	[sflag:s16] =	ssyncset.done $0x0  }
0x86: {  	[sflag:s16] =	ssyncadd.s32 $0xFFFFFF80  }
0x87: {  	[spmem:s2] =	stream.indirect.scatter [tilespmem:s15], [sflag:$0x3], $0x80, s18, s19, $0xb8;
	[tilespmem:$0x1EA00] =	vst v63  }
0x88: {  	_ =	swait.ge [sflag:s16], $0x4000  }
0x89: {  	[sflag:s16] =	ssyncset.done $0x0  }
0x8a: {  	s31 =	rddreg [dreg:$0x12];
	[sflag:s16] =	ssyncadd.s32 $0xFFFFC000  }
0x8b: {  	[tilespmem:s18], [sflag:$0x3] =	stream.linear.gather [hbm4b:s31+s3], $0x80, $0x38;
	[tilespmem:$0x1EA00] =	vst v63  }
0x8c: {  	_ =	swait.ge [sflag:s16], $0x80  }
0x8d: {  	[sflag:s16] =	ssyncset.done $0x0  }
0x8e: {  	[sflag:s16] =	ssyncadd.s32 $0xFFFFFF80  }
0x8f: {  	[spmem:s2] =	stream.indirect.scatter [tilespmem:s15], [sflag:$0x3], $0x80, s18, s19, $0xb8;
	[tilespmem:$0x1EA00] =	vst v63  }
0x90: {  	_ =	swait.ge [sflag:s16], $0x4000  }
0x91: {  	[sflag:s16] =	ssyncset.done $0x0  }
0x92: {  	s29 =	rddreg [dreg:$0x13];
	[sflag:s16] =	ssyncadd.s32 $0xFFFFC000  }
0x93: {  	[tilespmem:s18], [sflag:$0x3] =	stream.linear.gather [hbm4b:s29+s3], $0x80, $0x38;
	[tilespmem:$0x1EA00] =	vst v63  }
0x94: {  	_ =	swait.ge [sflag:s16], $0x80  }
0x95: {  	[sflag:s16] =	ssyncset.done $0x0  }
0x96: {  	[sflag:s16] =	ssyncadd.s32 $0xFFFFFF80  }
0x97: {  	[spmem:s2] =	stream.indirect.scatter [tilespmem:s15], [sflag:$0x3], $0x80, s18, s19, $0xb8;
	[tilespmem:$0x1EA00] =	vst v63  }
0x98: {  	_ =	swait.ge [sflag:s16], $0x4000  }
0x99: {  	[sflag:s16] =	ssyncset.done $0x0  }
0x9a: {  	s31 =	rddreg [dreg:$0x14];
	[sflag:s16] =	ssyncadd.s32 $0xFFFFC000  }
0x9b: {  	[tilespmem:s18], [sflag:$0x3] =	stream.linear.gather [hbm4b:s31+s3], $0x80, $0x38;
	[tilespmem:$0x1EA00] =	vst v63  }
0x9c: {  	_ =	swait.ge [sflag:s16], $0x80  }
0x9d: {  	[sflag:s16] =	ssyncset.done $0x0  }
0x9e: {  	[sflag:s16] =	ssyncadd.s32 $0xFFFFFF80  }
0x9f: {  	[spmem:s2] =	stream.indirect.scatter [tilespmem:s15], [sflag:$0x3], $0x80, s18, s19, $0xb8;
	[tilespmem:$0x1EA00] =	vst v63  }
0xa0: {  	_ =	swait.ge [sflag:s16], $0x4000  }
0xa1: {  	[sflag:s16] =	ssyncset.done $0x0  }
0xa2: {  	[sflag:s16] =	ssyncadd.s32 $0xFFFFC000  }
0xa3: {  	s28 =	sadd.s32 $0x0, s9;
	[bflag:$0x0] =	sbarrier.arrive $0xFFFF  }
0xa4: {  	[tilespmem:s20], [sflag:$0x3] =	stream.linear.gather [hbm4b:s28+s3], $0x80, $0x38;
	[tilespmem:$0x1EA00] =	vst v63  }
0xa5: {  	_ =	swait.ge [sflag:s16], $0x80  }
0xa6: {  	[sflag:s16] =	ssyncset.done $0x0  }
0xa7: {  	s28 =	sadd.s32 $0x0, s7;
	[sflag:s16] =	ssyncadd.s32 $0xFFFFFF80  }
0xa8: {  	[tilespmem:s18], [sflag:$0x3] =	stream.linear.gather [hbm4b:s28+s3], $0x80, $0x38;
	[tilespmem:$0x1EA00] =	vst v63  }
0xa9: {  	_ =	swait.ge [sflag:s16], $0x80  }
0xaa: {  	[sflag:s16] =	ssyncset.done $0x0  }
0xab: {  	s28 =	sadd.s32 $0x0, s4;
	[sflag:s16] =	ssyncadd.s32 $0xFFFFFF80  }
0xac: {  	[tilespmem:s21], [sflag:$0x3] =	stream.linear.gather [hbm4b:s28+s3], $0x80, $0x38;
	[tilespmem:$0x1EA00] =	vst v63  }
0xad: {  	_ =	swait.ge [sflag:s16], $0x80  }
0xae: {  	[sflag:s16] =	ssyncset.done $0x0  }
0xaf: {  	s28 =	sadd.s32 $0x0, s0;
	[sflag:s16] =	ssyncadd.s32 $0xFFFFFF80  }
0xb0: {  	[tilespmem:s22], [sflag:$0x3] =	stream.linear.gather [hbm4b:s28+s3], $0x80, $0x38;
	[tilespmem:$0x1EA00] =	vst v63  }
0xb1: {  	_ =	swait.ge [sflag:s16], $0x80  }
0xb2: {  	[sflag:s16] =	ssyncset.done $0x0  }
0xb3: {  	[sflag:s16] =	ssyncadd.s32 $0xFFFFFF80  }
0xb4: {  	[tilespmem:s15], [sflag:$0x1] =	stream.indirect.gather [hbm4b:s5+s19], $0x80, s20, s19, $0xb8;
	[tilespmem:$0x1EA00] =	vst v63  }
0xb5: {  	_ = 	snop  }
0xb6: {  	[tilespmem:s23], [sflag:$0x2] =	stream.indirect.gather [hbm4b:s8+s19], $0x80, s22, s19, $0xb8;
	[tilespmem:$0x1EA00] =	vst v63  }
0xb7: {  	_ =	swait.ge [sflag:s24], $0x4000  }
0xb8: {  	[sflag:s24] =	ssyncset.done $0x0  }
0xb9: {  	[sflag:s24] =	ssyncadd.s32 $0xFFFFC000  }
0xba: {  	_ =	swait.ge [sflag:s25], $0x4000  }
0xbb: {  	[sflag:s25] =	ssyncset.done $0x0  }
0xbc: {  	[sflag:s25] =	ssyncadd.s32 $0xFFFFC000  }
0xbd: {  	[spmem:s1] =	stream.indirect.scatter.add.f32 [tilespmem:s15], [sflag:$0x1], $0x80, s18, s19, $0xb8;
	[tilespmem:$0x1EA00] =	vst v63  }
0xbe: {  	_ = 	snop  }
0xbf: {  	[spmem:s2] =	stream.indirect.scatter.add.f32 [tilespmem:s23], [sflag:$0x2], $0x80, s21, s19, $0xb8;
	[tilespmem:$0x1EA00] =	vst v63  }
0xc0: {  	_ =	swait.ge [sflag:s24], $0x4000  }
0xc1: {  	[sflag:s24] =	ssyncset.done $0x0  }
0xc2: {  	[sflag:s24] =	ssyncadd.s32 $0xFFFFC000  }
0xc3: {  	_ =	swait.ge [sflag:s25], $0x4000  }
0xc4: {  	s30 =	simm.s32 $0x20;
	s28 =	simm.s32 $0x10;
	[sflag:s25] =	ssyncset.done $0x0  }
.LBB2_2:
0xc5: {  	s31 =	sadd.s32 s28, s9  }
0xc6: {  	[sflag:s25] =	ssyncadd.s32 $0xFFFFC000;
	s11 =	smov.u32 s30;
	s29 =	sadd.s32 $0x10, s30  }
0xc7: {  	[tilespmem:s20], [sflag:$0x3] =	stream.linear.gather [hbm4b:s31+s3], $0x80, $0x38;
	[tilespmem:$0x1EA00] =	vst v63  }
0xc8: {  	p0 =	sne.s32 s30, $0x270;
	_ =	swait.ge [sflag:s16], $0x80  }
0xc9: {  	[sflag:s16] =	ssyncset.done $0x0  }
0xca: {  	s30 =	sadd.s32 s28, s7;
	[sflag:s16] =	ssyncadd.s32 $0xFFFFFF80  }
0xcb: {  	[tilespmem:s18], [sflag:$0x3] =	stream.linear.gather [hbm4b:s30+s3], $0x80, $0x38;
	[tilespmem:$0x1EA00] =	vst v63  }
0xcc: {  	_ =	swait.ge [sflag:s16], $0x80  }
0xcd: {  	[sflag:s16] =	ssyncset.done $0x0  }
0xce: {  	s30 =	sadd.s32 s28, s4;
	[sflag:s16] =	ssyncadd.s32 $0xFFFFFF80  }
0xcf: {  	[tilespmem:s21], [sflag:$0x3] =	stream.linear.gather [hbm4b:s30+s3], $0x80, $0x38;
	[tilespmem:$0x1EA00] =	vst v63  }
0xd0: {  	_ =	swait.ge [sflag:s16], $0x80  }
0xd1: {  	[sflag:s16] =	ssyncset.done $0x0  }
0xd2: {  	s30 =	sadd.s32 s28, s0;
	s28 =	smov.u32 s11;
	[sflag:s16] =	ssyncadd.s32 $0xFFFFFF80  }
0xd3: {  	[tilespmem:s22], [sflag:$0x3] =	stream.linear.gather [hbm4b:s30+s3], $0x80, $0x38;
	[tilespmem:$0x1EA00] =	vst v63  }
0xd4: {  	_ =	swait.ge [sflag:s16], $0x80  }
0xd5: {  	[sflag:s16] =	ssyncset.done $0x0  }
0xd6: {  	[sflag:s16] =	ssyncadd.s32 $0xFFFFFF80  }
0xd7: {  	[tilespmem:s15], [sflag:$0x1] =	stream.indirect.gather [hbm4b:s5+s19], $0x80, s20, s19, $0xb8;
	[tilespmem:$0x1EA00] =	vst v63  }
0xd8: {  	_ = 	snop  }
0xd9: {  	[tilespmem:s23], [sflag:$0x2] =	stream.indirect.gather [hbm4b:s8+s19], $0x80, s22, s19, $0xb8;
	[tilespmem:$0x1EA00] =	vst v63  }
0xda: {  	_ =	swait.ge [sflag:s24], $0x4000  }
0xdb: {  	[sflag:s24] =	ssyncset.done $0x0  }
0xdc: {  	[sflag:s24] =	ssyncadd.s32 $0xFFFFC000  }
0xdd: {  	_ =	swait.ge [sflag:s25], $0x4000  }
0xde: {  	[sflag:s25] =	ssyncset.done $0x0  }
0xdf: {  	[sflag:s25] =	ssyncadd.s32 $0xFFFFC000  }
0xe0: {  	[spmem:s1] =	stream.indirect.scatter.add.f32 [tilespmem:s15], [sflag:$0x1], $0x80, s18, s19, $0xb8;
	[tilespmem:$0x1EA00] =	vst v63  }
0xe1: {  	_ = 	snop  }
0xe2: {  	[spmem:s2] =	stream.indirect.scatter.add.f32 [tilespmem:s23], [sflag:$0x2], $0x80, s21, s19, $0xb8;
	[tilespmem:$0x1EA00] =	vst v63  }
.Ltmp0:
0xe3: {  	_ =	swait.ge [sflag:s24], $0x4000;
	(pc) =	sbr.rel @p0 .LBB2_2-.Ltmp0, $4  }
0xe4: {  	[sflag:s24] =	ssyncset.done $0x0  }
0xe5: {  	[sflag:s24] =	ssyncadd.s32 $0xFFFFC000  }
0xe6: {  	_ =	swait.ge [sflag:s25], $0x4000  }
0xe7: {  	s30 =	smov.u32 s29;
	[sflag:s25] =	ssyncset.done $0x0  }
0xe8: {  	s11 =	sadd.s32 s28, s9;
	[sflag:s25] =	ssyncadd.s32 $0xFFFFC000  }
0xe9: {  	[tilespmem:s20], [sflag:$0x3] =	stream.linear.gather [hbm4b:s11+s3], $0x80, $0x38;
	[tilespmem:$0x1EA00] =	vst v63  }
0xea: {  	_ =	swait.ge [sflag:s16], $0x80  }
0xeb: {  	[sflag:s16] =	ssyncset.done $0x0  }
0xec: {  	s31 =	sadd.s32 s28, s7;
	[sflag:s16] =	ssyncadd.s32 $0xFFFFFF80  }
0xed: {  	[tilespmem:s18], [sflag:$0x3] =	stream.linear.gather [hbm4b:s31+s3], $0x80, $0x38;
	[tilespmem:$0x1EA00] =	vst v63  }
0xee: {  	_ =	swait.ge [sflag:s16], $0x80  }
0xef: {  	[sflag:s16] =	ssyncset.done $0x0  }
0xf0: {  	s31 =	sadd.s32 s28, s4;
	[sflag:s16] =	ssyncadd.s32 $0xFFFFFF80  }
0xf1: {  	[tilespmem:s21], [sflag:$0x3] =	stream.linear.gather [hbm4b:s31+s3], $0x80, $0x38;
	[tilespmem:$0x1EA00] =	vst v63  }
0xf2: {  	_ =	swait.ge [sflag:s16], $0x80  }
0xf3: {  	[sflag:s16] =	ssyncset.done $0x0  }
0xf4: {  	s31 =	sadd.s32 s28, s0;
	[sflag:s16] =	ssyncadd.s32 $0xFFFFFF80  }
0xf5: {  	[tilespmem:s22], [sflag:$0x3] =	stream.linear.gather [hbm4b:s31+s3], $0x80, $0x38;
	[tilespmem:$0x1EA00] =	vst v63  }
0xf6: {  	_ =	swait.ge [sflag:s16], $0x80  }
0xf7: {  	[sflag:s16] =	ssyncset.done $0x0  }
0xf8: {  	[sflag:s16] =	ssyncadd.s32 $0xFFFFFF80  }
0xf9: {  	[tilespmem:s15], [sflag:$0x1] =	stream.indirect.gather [hbm4b:s5+s19], $0x80, s20, s19, $0xb8;
	[tilespmem:$0x1EA00] =	vst v63  }
0xfa: {  	_ = 	snop  }
0xfb: {  	[tilespmem:s23], [sflag:$0x2] =	stream.indirect.gather [hbm4b:s8+s19], $0x80, s22, s19, $0xb8;
	[tilespmem:$0x1EA00] =	vst v63  }
0xfc: {  	_ =	swait.ge [sflag:s24], $0x4000  }
0xfd: {  	[sflag:s24] =	ssyncset.done $0x0  }
0xfe: {  	[sflag:s24] =	ssyncadd.s32 $0xFFFFC000  }
0xff: {  	_ =	swait.ge [sflag:s25], $0x4000  }
0x100: {  	[sflag:s25] =	ssyncset.done $0x0  }
0x101: {  	[sflag:s25] =	ssyncadd.s32 $0xFFFFC000  }
0x102: {  	[spmem:s1] =	stream.indirect.scatter.add.f32 [tilespmem:s15], [sflag:$0x1], $0x80, s18, s19, $0xb8;
	[tilespmem:$0x1EA00] =	vst v63  }
0x103: {  	_ = 	snop  }
0x104: {  	[spmem:s2] =	stream.indirect.scatter.add.f32 [tilespmem:s23], [sflag:$0x2], $0x80, s21, s19, $0xb8;
	[tilespmem:$0x1EA00] =	vst v63  }
0x105: {  	_ =	swait.ge [sflag:s24], $0x4000  }
0x106: {  	[sflag:s24] =	ssyncset.done $0x0  }
0x107: {  	[sflag:s24] =	ssyncadd.s32 $0xFFFFC000  }
0x108: {  	_ =	swait.ge [sflag:s25], $0x4000  }
0x109: {  	[sflag:s25] =	ssyncset.done $0x0  }
0x10a: {  	[sflag:s25] =	ssyncadd.s32 $0xFFFFC000  }
0x10b: {  	[bflag:$0x0] =	sbarrier.arrive $0xFFFF  }
0x10c: {  	s31 =	simm.s32 $0x0;
	s28 =	rddreg [dreg:$0x15]  }
0x10d: {  	[tilespmem:s18], [sflag:$0x3] =	stream.linear.gather [hbm4b:s28+s31], $0x80, $0x38;
	[tilespmem:$0x1EA00] =	vst v63  }
0x10e: {  	_ =	swait.ge [sflag:s16], $0x80  }
0x10f: {  	[sflag:s16] =	ssyncset.done $0x0  }
0x110: {  	[sflag:s16] =	ssyncadd.s32 $0xFFFFFF80  }
0x111: {  	[tilespmem:s15], [sflag:$0x1] =	stream.indirect.gather [spmem:s1], $0x80, s18, s19, $0xb8;
	[tilespmem:$0x1EA00] =	vst v63  }
0x112: {  	_ =	swait.ge [sflag:s24], $0x4000  }
0x113: {  	[sflag:s24] =	ssyncset.done $0x0  }
0x114: {  	s28 =	rddreg [dreg:$0x7];
	[sflag:s24] =	ssyncadd.s32 $0xFFFFC000  }
0x115: {  	[hbm4b:s28+s31] =	stream.linear.scatter [tilespmem:s15], [sflag:$0x3], $0x4000, $0x38;
	[tilespmem:$0x1EA00] =	vst v63  }
0x116: {  	_ =	swait.ge [sflag:s16], $0x4000  }
0x117: {  	[sflag:s16] =	ssyncset.done $0x0  }
0x118: {  	s28 =	rddreg [dreg:$0x16];
	[sflag:s16] =	ssyncadd.s32 $0xFFFFC000  }
0x119: {  	[tilespmem:s18], [sflag:$0x3] =	stream.linear.gather [hbm4b:s28+s31], $0x80, $0x38;
	[tilespmem:$0x1EA00] =	vst v63  }
0x11a: {  	_ =	swait.ge [sflag:s16], $0x80  }
0x11b: {  	[sflag:s16] =	ssyncset.done $0x0  }
0x11c: {  	[sflag:s16] =	ssyncadd.s32 $0xFFFFFF80  }
0x11d: {  	[tilespmem:s15], [sflag:$0x1] =	stream.indirect.gather [spmem:s1], $0x80, s18, s19, $0xb8;
	[tilespmem:$0x1EA00] =	vst v63  }
0x11e: {  	_ =	swait.ge [sflag:s24], $0x4000  }
0x11f: {  	[sflag:s24] =	ssyncset.done $0x0  }
0x120: {  	s28 =	rddreg [dreg:$0x8];
	[sflag:s24] =	ssyncadd.s32 $0xFFFFC000  }
0x121: {  	[hbm4b:s28+s31] =	stream.linear.scatter [tilespmem:s15], [sflag:$0x3], $0x4000, $0x38;
	[tilespmem:$0x1EA00] =	vst v63  }
0x122: {  	_ =	swait.ge [sflag:s16], $0x4000  }
0x123: {  	[sflag:s16] =	ssyncset.done $0x0  }
0x124: {  	s28 =	rddreg [dreg:$0x17];
	[sflag:s16] =	ssyncadd.s32 $0xFFFFC000  }
0x125: {  	[tilespmem:s18], [sflag:$0x3] =	stream.linear.gather [hbm4b:s28+s31], $0x80, $0x38;
	[tilespmem:$0x1EA00] =	vst v63  }
0x126: {  	_ =	swait.ge [sflag:s16], $0x80  }
0x127: {  	[sflag:s16] =	ssyncset.done $0x0  }
0x128: {  	[sflag:s16] =	ssyncadd.s32 $0xFFFFFF80  }
0x129: {  	[tilespmem:s15], [sflag:$0x1] =	stream.indirect.gather [spmem:s1], $0x80, s18, s19, $0xb8;
	[tilespmem:$0x1EA00] =	vst v63  }
0x12a: {  	_ =	swait.ge [sflag:s24], $0x4000  }
0x12b: {  	[sflag:s24] =	ssyncset.done $0x0  }
0x12c: {  	s28 =	rddreg [dreg:$0x9];
	[sflag:s24] =	ssyncadd.s32 $0xFFFFC000  }
0x12d: {  	[hbm4b:s28+s31] =	stream.linear.scatter [tilespmem:s15], [sflag:$0x3], $0x4000, $0x38;
	[tilespmem:$0x1EA00] =	vst v63  }
0x12e: {  	_ =	swait.ge [sflag:s16], $0x4000  }
0x12f: {  	[sflag:s16] =	ssyncset.done $0x0  }
0x130: {  	s28 =	rddreg [dreg:$0x18];
	[sflag:s16] =	ssyncadd.s32 $0xFFFFC000  }
0x131: {  	[tilespmem:s18], [sflag:$0x3] =	stream.linear.gather [hbm4b:s28+s31], $0x80, $0x38;
	[tilespmem:$0x1EA00] =	vst v63  }
0x132: {  	_ =	swait.ge [sflag:s16], $0x80  }
0x133: {  	[sflag:s16] =	ssyncset.done $0x0  }
0x134: {  	[sflag:s16] =	ssyncadd.s32 $0xFFFFFF80  }
0x135: {  	[tilespmem:s15], [sflag:$0x1] =	stream.indirect.gather [spmem:s1], $0x80, s18, s19, $0xb8;
	[tilespmem:$0x1EA00] =	vst v63  }
0x136: {  	_ =	swait.ge [sflag:s24], $0x4000  }
0x137: {  	[sflag:s24] =	ssyncset.done $0x0  }
0x138: {  	s28 =	rddreg [dreg:$0xa];
	[sflag:s24] =	ssyncadd.s32 $0xFFFFC000  }
0x139: {  	[hbm4b:s28+s31] =	stream.linear.scatter [tilespmem:s15], [sflag:$0x3], $0x4000, $0x38;
	[tilespmem:$0x1EA00] =	vst v63  }
0x13a: {  	_ =	swait.ge [sflag:s16], $0x4000  }
0x13b: {  	[sflag:s16] =	ssyncset.done $0x0  }
0x13c: {  	s28 =	rddreg [dreg:$0x19];
	[sflag:s16] =	ssyncadd.s32 $0xFFFFC000  }
0x13d: {  	[tilespmem:s18], [sflag:$0x3] =	stream.linear.gather [hbm4b:s28+s31], $0x80, $0x38;
	[tilespmem:$0x1EA00] =	vst v63  }
0x13e: {  	_ =	swait.ge [sflag:s16], $0x80  }
0x13f: {  	[sflag:s16] =	ssyncset.done $0x0  }
0x140: {  	[sflag:s16] =	ssyncadd.s32 $0xFFFFFF80  }
0x141: {  	[tilespmem:s15], [sflag:$0x1] =	stream.indirect.gather [spmem:s1], $0x80, s18, s19, $0xb8;
	[tilespmem:$0x1EA00] =	vst v63  }
0x142: {  	_ =	swait.ge [sflag:s24], $0x4000  }
0x143: {  	[sflag:s24] =	ssyncset.done $0x0  }
0x144: {  	s28 =	rddreg [dreg:$0xb];
	[sflag:s24] =	ssyncadd.s32 $0xFFFFC000  }
0x145: {  	[hbm4b:s28+s31] =	stream.linear.scatter [tilespmem:s15], [sflag:$0x3], $0x4000, $0x38;
	[tilespmem:$0x1EA00] =	vst v63  }
0x146: {  	_ =	swait.ge [sflag:s16], $0x4000  }
0x147: {  	[sflag:s16] =	ssyncset.done $0x0  }
0x148: {  	s31 =	sadd.s32 $0x0, s6;
	[sflag:s16] =	ssyncadd.s32 $0xFFFFC000  }
0x149: {  	[tilespmem:s18], [sflag:$0x3] =	stream.linear.gather [hbm4b:s31+s3], $0x80, $0x38;
	[tilespmem:$0x1EA00] =	vst v63  }
0x14a: {  	_ =	swait.ge [sflag:s16], $0x80  }
0x14b: {  	[sflag:s16] =	ssyncset.done $0x0  }
0x14c: {  	[sflag:s16] =	ssyncadd.s32 $0xFFFFFF80  }
0x14d: {  	[tilespmem:s15], [sflag:$0x1] =	stream.indirect.gather [spmem:s2], $0x80, s18, s19, $0xb8;
	[tilespmem:$0x1EA00] =	vst v63  }
0x14e: {  	_ =	swait.ge [sflag:s24], $0x4000  }
0x14f: {  	[sflag:s24] =	ssyncset.done $0x0  }
0x150: {  	[sflag:s24] =	ssyncadd.s32 $0xFFFFC000  }
0x151: {  	[hbm4b:s17+s3] =	stream.linear.scatter [tilespmem:s15], [sflag:$0x3], $0x4000, $0x38;
	[tilespmem:$0x1EA00] =	vst v63  }
0x152: {  	s29 =	simm.s32 $0x10;
	_ =	swait.ge [sflag:s16], $0x4000  }
0x153: {  	s30 =	simm.s32 $0x20;
	s28 =	sadd.s32 $0x800, s17;
	[sflag:s16] =	ssyncset.done $0x0  }
.LBB2_4:
0x154: {  	s11 =	sadd.s32 s29, s6  }
0x155: {  	[sflag:s16] =	ssyncadd.s32 $0xFFFFC000;
	s29 =	smov.u32 s30;
	s31 =	sadd.s32 $0x10, s30  }
0x156: {  	[tilespmem:s18], [sflag:$0x3] =	stream.linear.gather [hbm4b:s11+s3], $0x80, $0x38;
	[tilespmem:$0x1EA00] =	vst v63  }
0x157: {  	p0 =	sne.s32 s30, $0x90;
	_ =	swait.ge [sflag:s16], $0x80  }
0x158: {  	[sflag:s16] =	ssyncset.done $0x0  }
0x159: {  	[sflag:s16] =	ssyncadd.s32 $0xFFFFFF80  }
0x15a: {  	[tilespmem:s15], [sflag:$0x1] =	stream.indirect.gather [spmem:s2], $0x80, s18, s19, $0xb8;
	[tilespmem:$0x1EA00] =	vst v63  }
0x15b: {  	_ =	swait.ge [sflag:s24], $0x4000  }
.Ltmp1:
0x15c: {  	[sflag:s24] =	ssyncset.done $0x0;
	(pc) =	sbr.rel @p0 .LBB2_4-.Ltmp1, $4  }
0x15d: {  	[sflag:s24] =	ssyncadd.s32 $0xFFFFC000  }
0x15e: {  	[hbm4b:s28+s3] =	stream.linear.scatter [tilespmem:s15], [sflag:$0x3], $0x4000, $0x38;
	[tilespmem:$0x1EA00] =	vst v63  }
0x15f: {  	_ =	swait.ge [sflag:s16], $0x4000  }
0x160: {  	s30 =	smov.u32 s31;
	s28 =	sadd.s32 $0x800, s28;
	[sflag:s16] =	ssyncset.done $0x0  }
0x161: {  	s11 =	sadd.s32 s29, s6;
	[sflag:s16] =	ssyncadd.s32 $0xFFFFC000  }
0x162: {  	[tilespmem:s18], [sflag:$0x3] =	stream.linear.gather [hbm4b:s11+s3], $0x80, $0x38;
	[tilespmem:$0x1EA00] =	vst v63  }
0x163: {  	_ =	swait.ge [sflag:s16], $0x80  }
0x164: {  	[sflag:s16] =	ssyncset.done $0x0  }
0x165: {  	[sflag:s16] =	ssyncadd.s32 $0xFFFFFF80  }
0x166: {  	[tilespmem:s15], [sflag:$0x1] =	stream.indirect.gather [spmem:s2], $0x80, s18, s19, $0xb8;
	[tilespmem:$0x1EA00] =	vst v63  }
0x167: {  	_ =	swait.ge [sflag:s24], $0x4000  }
0x168: {  	[sflag:s24] =	ssyncset.done $0x0  }
0x169: {  	[sflag:s24] =	ssyncadd.s32 $0xFFFFC000  }
0x16a: {  	[hbm4b:s28+s3] =	stream.linear.scatter [tilespmem:s15], [sflag:$0x3], $0x4000, $0x38;
	[tilespmem:$0x1EA00] =	vst v63  }
0x16b: {  	_ =	swait.ge [sflag:s16], $0x4000  }
0x16c: {  	s26 =	sadd.s32 $0x1, s26;
	s31 =	rddreg [dreg:$0x6]  }
0x16d: {  	p0 =	sne.s32 s26, s31  }
.Ltmp2:
0x16e: {  	_ = 	snop;
	(pc) =	sbr.rel @p0 .LBB2_1-.Ltmp2, $3  }
0x16f: {  	_ =	sdelay $0x1  }
0x170: {  	[sflag:s16] =	ssyncset.done $0x0  }
0x171: {  	[sflag:s16] =	ssyncadd.s32 $0xFFFFC000  }
0x172: {  	_ =	sfence.sel $0x180000  }
0x173: {  	[bflag:$0x0] =	sbarrier.arrive $0xFFFF  }
0x174: {  	_ =	strace $0x9000004A  }
0x175: {  	s0 =	stileid.u32;
	[bflag:$0x2] =	sbarrier.arrive $0xFFFF  }
0x176: {  	p0 =	sne.s32 s0, $0x0;
	s0 =	rddreg [dreg:$0x4]  }
0x177: {  	s0 =	sadd.s32 @!p0 $0x100000, s0  }
0x178: {  	[sflag:s0] =	ssyncadd.tile.s32 @!p0 $0x1;
	_ =	shalt  }
.Lfunc_end2:
_tile_overlayer_lowered:
.L_overlay_start_2:
0x179: {  	(tag) =	ssettag $0x2  }
0x17a: {  	s0 =	rddreg [dreg:$0x0];
	s2 =	stileid.u32  }
0x17b: {  	s1 =	rddreg [dreg:$0x1];
	p0 =	sne.s32 s2, $0x0  }
0x17c: {  	s3 =	rddreg [dreg:$0x2];
	[bflag:$0x3] =	sbarrier.arrive $0xFFFF;
	s2 =	simm.s32 @!p0 $0x1C03  }
0x17d: {  	[timem:s3], [sflag:s2] =	dma.local @!p0 [hbm:s0], s1  }
0x17e: {  	s0 =	simm.s32 @!p0 $0x3  }
0x17f: {  	_ =	swait.ge @!p0 [sflag:s0], s1  }
0x180: {  	s1 =	ssub.s32 @!p0 $0x0, s1;
	[sflag:s0] =	ssyncset.done @!p0 $0x0  }
0x181: {  	[sflag:s0] =	ssyncadd.s32 @!p0 s1  }
0x182: {  	[bflag:$0x3] =	sbarrier.arrive $0xFFFF  }
0x183: {  	_ =	shalt  }

// kernel: kernel.7.cloned.1.call-start
scs
__scs_entry_jumppad:
0x0: {  	(pc) =	sbr.rel $0x88, $3  }
0x1: {  	(tag) =	ssettag $0x0;
	lr =	simm.s32 $0x1  }
0x2: {  	[smem:$0x3F9A] =	sst lr;
	_ =	strace $0xD0000000  }
0x3: {  	_ = 	snop  }
0x4: {  	_ = 	snop  }
0x5: {  	_ = 	snop  }
0x6: {  	_ = 	snop  }
0x7: {  	_ = 	snop  }
__scs_overlays_trampoline_lowered:
0x8: {  	[smem:$0x3FA9] =	sst s0  }
0x9: {  	[smem:$0x3FAA] =	sst s1  }
0xa: {  	[smem:$0x3FAB] =	sst s2  }
0xb: {  	[smem:$0x3FAC] =	sst s3  }
0xc: {  	[smem:$0x3FAD] =	sst s4  }
0xd: {  	[smem:$0x3FAE] =	sst s5  }
0xe: {  	[smem:$0x3FAF] =	sst s6  }
0xf: {  	[smem:$0x3FB0] =	sst s7  }
0x10: {  	[smem:$0x3FB1] =	sst s8  }
0x11: {  	[smem:$0x3FB2] =	sst s9;
	s0 =	simm.s32 @!p0 $0x0  }
0x12: {  	s1 =	sld [smem:$0x3F98];
	s0 =	simm.s32 @p0 $0x1  }
0x13: {  	[smem:$0x3FB3] =	sst s0;
	s0 =	simm.s32 @!p1 $0x0  }
0x14: {  	s2 =	sld [smem:$0x3F97];
	s0 =	simm.s32 @p1 $0x1  }
0x15: {  	[smem:$0x3FB4] =	sst s0;
	s0 =	simm.s32 @!p2 $0x0  }
0x16: {  	s3 =	sld [smem:$0x3FDB];
	s0 =	simm.s32 @p2 $0x1  }
0x17: {  	s4 =	simm.s32 $0x1BF5;
	[smem:$0x3FB6] =	sst s0  }
0x18: {  	s0 =	sld [smem:$0x3F99];
	_ =	swait.ge [sflag:s4], $0x0  }
0x19: {  	s7 =	sld [smem:$0x3F9A]  }
0x1a: {  	s8 =	sadd.s32 $0xFFFFE003, lr  }
0x1b: {  	s9 =	sadd.s32 $0xFFFFFEF7, lr;
	s5 =	simm.s32 $0xFFFFFFFF;
	p2 =	slt.u32 s8, $0xFFFFF086  }
0x1c: {  	p1 =	slt.u32 s9, $0xF7A;
	s5 =	simm.s32 @!p2 $0x0  }
0x1d: {  	s5 =	simm.s32 @p1 $0x1;
	p0 =	seq.s32 s7, s2  }
0x1e: {  	s7 =	smul.u32 @!p0 $0xF7A, s2;
	p2 =	seq.s32 @!p0 s5, $0x0  }
0x1f: {  	s9 =	smul.u32 $0xF7A, s1;
	s8 =	simm.s32 @!p0 $0x1BF5;
	p2 =	por !p2, p0  }
0x20: {  	[sflag:s8] =	ssyncset.s32 @!p0 $0xFFFFF086;
	s6 =	sadd.s32 @!p0 s3, s7;
	s7 =	simm.s32 @!p0 $0x108  }
0x21: {  	s3 =	sadd.s32 s3, s9;
	s6 =	sadd.s32 @!p0 $0x88, s6;
	s7 =	simm.s32 @p2 $0x1082  }
0x22: {  	[simem:s7], [sflag:s8] =	dma.local @!p0 [hbm:s6], $0xF7A  }
0x23: {  	s9 =	sor.u32 $0xD0000000, s2;
	s6 =	simm.s32 $0x108;
	_ =	swait.ge @!p0 [sflag:s8], $0x0  }
0x24: {  	s3 =	sadd.s32 $0x88, s3;
	s6 =	simm.s32 @!p1 $0x1082;
	[sflag:s4] =	ssyncset.s32 $0xFFFFF086  }
0x25: {  	[simem:s6], [sflag:s4] =	dma.local [hbm:s3], $0xF7A  }
0x26: {  	[smem:$0x3F9A] =	sst s1;
	(tag) =	ssettag s2;
	_ =	strace s9  }
0x27: {  	s1 =	sld [smem:$0x3FAA]  }
0x28: {  	s2 =	sld [smem:$0x3FAB]  }
0x29: {  	s4 =	sld [smem:$0x3FAD]  }
0x2a: {  	p0 =	seq.s32 s5, $0x0;
	s5 =	sld [smem:$0x3FAE]  }
0x2b: {  	s6 =	sld [smem:$0x3FAF]  }
0x2c: {  	s7 =	sld [smem:$0x3FB0]  }
0x2d: {  	s3 =	simm.s32 $0x108;
	s8 =	sld [smem:$0x3FB1]  }
0x2e: {  	s3 =	simm.s32 @!p0 $0x1082;
	s9 =	sld [smem:$0x3FB2]  }
0x2f: {  	lr =	sadd.s32 s0, s3;
	s0 =	sld [smem:$0x3FA9]  }
0x30: {  	s3 =	sld [smem:$0x3FAC]  }
0x31: {  	[smem:$0x3FB5] =	sst s10  }
0x32: {  	s10 =	sld [smem:$0x3FB3];
	_ =	sdelay $0x3  }
0x33: {  	p0 =	seq.s32 s10, $0x1;
	s10 =	sld [smem:$0x3FB5];
	_ =	sdelay $0x3  }
0x34: {  	[smem:$0x3FB5] =	sst s10  }
0x35: {  	s10 =	sld [smem:$0x3FB4];
	_ =	sdelay $0x3  }
0x36: {  	p1 =	seq.s32 s10, $0x1;
	s10 =	sld [smem:$0x3FB5];
	_ =	sdelay $0x3  }
0x37: {  	[smem:$0x3FB5] =	sst s10  }
0x38: {  	s10 =	sld [smem:$0x3FB6]  }
0x39: {  	_ = 	snop;
	(pc) =	sbr.ind lr, $3  }
0x3a: {  	_ = 	snop  }
0x3b: {  	_ = 	snop  }
0x3c: {  	p2 =	seq.s32 s10, $0x1;
	s10 =	sld [smem:$0x3FB5]  }
0x3d: {  	_ =	shalt  }
0x3e: {  	_ =	shalt  }
0x3f: {  	_ =	shalt  }
0x40: {  	_ =	shalt  }
0x41: {  	_ =	shalt  }
0x42: {  	_ =	shalt  }
0x43: {  	_ =	shalt  }
0x44: {  	_ =	shalt  }
0x45: {  	_ =	shalt  }
0x46: {  	_ =	shalt  }
0x47: {  	_ =	shalt  }
0x48: {  	_ =	shalt  }
0x49: {  	_ =	shalt  }
0x4a: {  	_ =	shalt  }
0x4b: {  	_ =	shalt  }
0x4c: {  	_ =	shalt  }
0x4d: {  	_ =	shalt  }
0x4e: {  	_ =	shalt  }
0x4f: {  	_ =	shalt  }
0x50: {  	_ =	shalt  }
0x51: {  	_ =	shalt  }
0x52: {  	_ =	shalt  }
0x53: {  	_ =	shalt  }
0x54: {  	_ =	shalt  }
0x55: {  	_ =	shalt  }
0x56: {  	_ =	shalt  }
0x57: {  	_ =	shalt  }
0x58: {  	_ =	shalt  }
0x59: {  	_ =	shalt  }
0x5a: {  	_ =	shalt  }
0x5b: {  	_ =	shalt  }
0x5c: {  	_ =	shalt  }
0x5d: {  	_ =	shalt  }
0x5e: {  	_ =	shalt  }
0x5f: {  	_ =	shalt  }
0x60: {  	_ =	shalt  }
0x61: {  	_ =	shalt  }
0x62: {  	_ =	shalt  }
0x63: {  	_ =	shalt  }
0x64: {  	_ =	shalt  }
0x65: {  	_ =	shalt  }
0x66: {  	_ =	shalt  }
0x67: {  	_ =	shalt  }
0x68: {  	_ =	shalt  }
0x69: {  	_ =	shalt  }
0x6a: {  	_ =	shalt  }
0x6b: {  	_ =	shalt  }
0x6c: {  	_ =	shalt  }
0x6d: {  	_ =	shalt  }
0x6e: {  	_ =	shalt  }
0x6f: {  	_ =	shalt  }
0x70: {  	_ =	shalt  }
0x71: {  	_ =	shalt  }
0x72: {  	_ =	shalt  }
0x73: {  	_ =	shalt  }
0x74: {  	_ =	shalt  }
0x75: {  	_ =	shalt  }
0x76: {  	_ =	shalt  }
0x77: {  	_ =	shalt  }
0x78: {  	_ =	shalt  }
0x79: {  	_ =	shalt  }
0x7a: {  	_ =	shalt  }
0x7b: {  	_ =	shalt  }
0x7c: {  	_ =	shalt  }
0x7d: {  	_ =	shalt  }
0x7e: {  	_ =	shalt  }
0x7f: {  	_ =	shalt  }
0x80: {  	_ =	shalt  }
0x81: {  	_ =	shalt  }
0x82: {  	_ =	shalt  }
0x83: {  	_ =	shalt  }
0x84: {  	_ =	shalt  }
0x85: {  	_ =	shalt  }
0x86: {  	_ =	shalt  }
0x87: {  	_ =	shalt  }
.Lfunc_end0:
.L_simem_size_0:
called_computation_lowered:
.L_overlay_start_0:
0x88: {  	s2 =	sld [smem:$0x3FD9]  }
0x89: {  	s3 =	sld [smem:$0x3FFE];
	_ =	sdelay $0x1  }
0x8a: {  	s1 =	srdreg.scid  }
0x8b: {  	s0 =	sand.u32 $0x1, s1  }
0x8c: {  	s17 =	sshll.u32 s0, $0xA;
	s2 =	sadd.s32 s3, s2  }
0x8d: {  	s2 =	sadd.s32 s2, s17  }
0x8e: {  	[smem:$0x3FC1] =	sst s2  }
0x8f: {  	_ = 	snop  }
0x90: {  	s2 =	sld [smem:$0x3FD0];
	(tm) =	ssettm $0x1  }
0x91: {  	s18 =	sld [smem:$0x3FFB];
	_ =	sdelay $0x3  }
0x92: {  	_ =	strace s18  }
0x93: {  	s3 =	sld [smem:$0x3FFC];
	_ =	sdelay $0x3  }
0x94: {  	_ =	strace s3  }
0x95: {  	s3 =	sld [smem:$0x3FFD];
	_ =	sdelay $0x3  }
0x96: {  	_ =	strace s3  }
0x97: {  	_ =	strace $0x8FFFFFFF  }
0x98: {  	s19 =	sld [smem:$0x3FDB];
	_ =	sdelay $0x1  }
0x99: {  	s4 =	simm.s32 $_scs_section_size  }
0x9a: {  	s5 =	simm.s32 $_size__tile_overlayer_lowered;
	s6 =	simm.s32 $_tile_overlayer_lowered  }
0x9b: {  	s22 =	simm.s32 $0x1BFF;
	s21 =	sshll.u32 s6, $0x1;
	s3 =	sadd.s32 s4, s19  }
0x9c: {  	s7 =	simm.s32 $0x0;
	s20 =	sshll.u32 s5, $0x1;
	s5 =	sadd.s32 s21, s3  }
0x9d: {  	[timem:s7], [sflag:s22] =	dma.local [hbm:s5], s20  }
0x9e: {  	_ =	swait.ge [sflag:s22], s20  }
0x9f: {  	s4 =	ssub.s32 $0x0, s20;
	[sflag:s22] =	ssyncset.done $0x0  }
0xa0: {  	[sflag:s22] =	ssyncadd.s32 s4;
	_ =	sdelay $0x1  }
0xa1: {  	s23 =	simm.s32 $0x1B8B  }
0xa2: {  	_ =	swait.ge [sflag:s23], $0x1  }
0xa3: {  	[sflag:s23] =	ssyncset.done $0x0  }
0xa4: {  	s25 =	simm.s32 $0x1B8E;
	s24 =	sld [smem:$0x3FFE];
	[sflag:s23] =	ssyncadd.s32 $0xFFFFFFFF  }
0xa5: {  	s26 =	simm.s32 $execute0_lowered;
	[smem:$0x3FD2] =	sst s25  }
0xa6: {  	s5 =	sshll.u32 s26, $0x1;
	_ =	strace $0x80000046;
	[dreg:$0x1] =	wrdreg $0xFFFFFFFF  }
0xa7: {  	s28 =	simm.s32 $_size_execute0_lowered;
	s3 =	sadd.s32 s3, s5;
	[dreg:$0x0] =	wrdreg $0x0  }
0xa8: {  	s5 =	sshll.u32 s28, $0x1;
	[dreg:$0x2] =	wrdreg s3  }
0xa9: {  	[dreg:$0x3] =	wrdreg s5  }
0xaa: {  	[dreg:$0x4] =	wrdreg $0xC0  }
0xab: {  	_ =	task [dreg:s7], $0x5FFFF  }
0xac: {  	[dreg:$0x1] =	wrdreg $0xFFFFFFFF  }
0xad: {  	[dreg:$0x0] =	wrdreg $0x60  }
0xae: {  	[dreg:$0x2] =	wrdreg s24  }
0xaf: {  	[dreg:$0x3] =	wrdreg s2  }
0xb0: {  	[dreg:$0x4] =	wrdreg $0x0  }
0xb1: {  	[dreg:$0x5] =	wrdreg $0x140000  }
0xb2: {  	[dreg:$0x6] =	wrdreg $0x9  }
0xb3: {  	_ =	task.clear_ibuf [dreg:s7], $0x7FFFF;
	_ =	strace $0x90000046  }
0xb4: {  	s29 =	simm.s32 $0x9;
	_ =	strace $0x80000048  }
0xb5: {  	_ =	swait.ge [sflag:s29], $0x1  }
0xb6: {  	[sflag:s29] =	ssyncadd.s32 $0xFFFFFFFF  }
0xb7: {  	_ =	strace $0x90000048  }
0xb8: {  	_ =	sfence  }
0xb9: {  	s30 =	sld [smem:$0x0];
	_ =	sdelay $0x2  }
0xba: {  	s31 =	sshll.u32 s1, $0xD;
	s1 =	sshrl.u32 s1, $0x2  }
0xbb: {  	s3 =	sand.u32 $0x4000, s31;
	s1 =	sadd.s32 s1, s30  }
0xbc: {  	s0 =	sor.u32 s3, s0;
	s1 =	sshll.u32 s1, $0x11  }
0xbd: {  	s0 =	sor.u32 s1, s0  }
0xbe: {  	s0 =	sadd.s32 $0x8F2B, s0  }
0xbf: {  	[sflag:s0] =	ssyncadd.remote.s32 $0x1  }
0xc0: {  	_ =	sfence.sel $0xFFFF  }
0xc1: {  	[dreg:$0x0] =	wrdreg $0xFFFFFFFF;
	(pc) =	sbr.abs _section_cstart, $3  }
0xc2: {  	[dreg:$0x1] =	wrdreg $0xFFFFFFFF  }
0xc3: {  	_ =	task.clear_ibuf [dreg:s7], $0x2FFFF;
	_ =	strace $0x9FFFFFFF  }
0xc4: {  	(tm) =	ssettm $0x7FFFFFFF  }
0xc5: {  	_ =	shalt  }
tec
execute0_lowered:
.L_overlay_start_1:
0x0: {  	(tag) =	ssettag $0x1  }
0x1: {  	s0 =	rddreg [dreg:$0x0]  }
0x2: {  	s4 =	rddreg [dreg:$0x1]  }
0x3: {  	s1 =	rddreg [dreg:$0x2];
	s3 =	srdreg.scid  }
0x4: {  	s2 =	rddreg [dreg:$0x3];
	s14 =	stileid.u32;
	s7 =	sand.u32 $0x1, s3  }
0x5: {  	s3 =	simm.s32 $0x0;
	s5 =	sadd.s32 $0x2A000, s0;
	s13 =	smul.u32 $0x280, s14  }
0x6: {  	s6 =	sadd.s32 $0x52000, s0;
	s8 =	sadd.s32 $0x52600, s0;
	s22 =	smul.u32 $0x50, s14  }
0x7: {  	s23 =	sadd.s32 $0x52E00, s0;
	s30 =	sadd.s32 $0x52010, s0;
	s31 =	sadd.s32 $0x52020, s0  }
0x8: {  	s14 =	sadd.s32 $0x52060, s0;
	s20 =	sadd.s32 $0x52070, s0;
	[smem:$0x7FF] =	sst s3  }
0x9: {  	s21 =	sadd.s32 $0x52080, s0;
	_ =	strace $0x80000047;
	[dreg:$0x5] =	wrdreg s8  }
0xa: {  	s9 =	smul.u32 $0x2800, s7;
	s10 =	ssub.s32 $0x2, s7;
	[dreg:$0xc] =	wrdreg s30  }
0xb: {  	s7 =	smul.u32 $0x5000, s7;
	s12 =	sshrl.u32 s10, $0x1;
	[dreg:$0xd] =	wrdreg s31  }
0xc: {  	s8 =	sadd.s32 $0x1E00, s0;
	s15 =	sadd.s32 $0x80, s13;
	[dreg:$0x11] =	wrdreg s14  }
0xd: {  	s18 =	sadd.s32 $0x100, s13;
	s28 =	sadd.s32 $0x180, s13;
	[dreg:$0x12] =	wrdreg s20  }
0xe: {  	s19 =	sadd.s32 $0x200, s13;
	[dreg:$0x13] =	wrdreg s21;
	s20 =	simm.s32 $0x16800  }
0xf: {  	s21 =	simm.s32 $0x16900;
	s11 =	sadd.s32 s9, s0;
	s10 =	ssub.s32 s10, s12  }
0x10: {  	s24 =	sadd.s32 s9, s13;
	s16 =	sadd.s32 s9, s15;
	s26 =	sadd.s32 s9, s18  }
0x11: {  	s29 =	sadd.s32 s9, s28;
	s9 =	sadd.s32 s9, s19;
	s17 =	sadd.s32 s7, s4  }
0x12: {  	s7 =	sadd.s32 $0x52030, s0;
	s28 =	sshrl.u32 s28, $0x3;
	s10 =	smax.u32 s10, $0x1  }
0x13: {  	s12 =	sshll.u32 s24, $0x4;
	s16 =	sshll.u32 s16, $0x4;
	s9 =	sshll.u32 s9, $0x4  }
0x14: {  	[dreg:$0xe] =	wrdreg s7;
	s24 =	sshrl.u32 s15, $0x3;
	s15 =	simm.s32 $0x16A00  }
0x15: {  	[dreg:$0x6] =	wrdreg s10;
	s10 =	sadd.s32 s6, s22;
	s12 =	sadd.s32 s23, s12  }
0x16: {  	s25 =	sadd.s32 s23, s16;
	s9 =	sadd.s32 s23, s9;
	[dreg:$0x7] =	wrdreg s12  }
0x17: {  	s22 =	sadd.s32 s13, s11;
	s16 =	simm.s32 $0x3;
	[dreg:$0x8] =	wrdreg s25  }
0x18: {  	s12 =	sshll.u32 s26, $0x4;
	[dreg:$0xb] =	wrdreg s9;
	s9 =	sadd.s32 $0x52040, s0  }
0x19: {  	s25 =	sadd.s32 s6, s24;
	s26 =	sshrl.u32 s18, $0x3;
	s4 =	sadd.s32 $0x20000, s22  }
0x1a: {  	s7 =	sadd.s32 $0x1B000, s22;
	s31 =	sadd.s32 $0x10, s10;
	[dreg:$0xf] =	wrdreg s9  }
0x1b: {  	s14 =	sadd.s32 $0x40, s10;
	s18 =	simm.s32 $0x16880;
	[dreg:$0x16] =	wrdreg s25  }
0x1c: {  	s24 =	simm.s32 $0x1;
	s12 =	sadd.s32 s23, s12;
	[dreg:$0x1a] =	wrdreg s31  }
0x1d: {  	s9 =	sadd.s32 $0x7000, s22;
	[dreg:$0x9] =	wrdreg s12;
	s12 =	sshll.u32 s29, $0x4  }
0x1e: {  	s25 =	simm.s32 $0x2;
	s29 =	sshrl.u32 s19, $0x3;
	s12 =	sadd.s32 s23, s12  }
0x1f: {  	s19 =	simm.s32 $0x80;
	s30 =	sadd.s32 s6, s29;
	[dreg:$0xa] =	wrdreg s12  }
0x20: {  	s23 =	sshrl.u32 s13, $0x3;
	s12 =	sadd.s32 $0x52050, s0;
	[dreg:$0x19] =	wrdreg s30  }
0x21: {  	s13 =	sadd.s32 $0x30, s10;
	s0 =	sadd.s32 $0x52090, s0;
	[dreg:$0x10] =	wrdreg s12  }
0x22: {  	[dreg:$0x14] =	wrdreg s0;
	s0 =	sadd.s32 s6, s23;
	s12 =	sadd.s32 $0x20, s10  }
0x23: {  	s23 =	simm.s32 $0x1AA00;
	[dreg:$0x15] =	wrdreg s0;
	s0 =	sadd.s32 s6, s26  }
0x24: {  	s26 =	simm.s32 $0x0;
	[dreg:$0x17] =	wrdreg s0;
	s0 =	sadd.s32 s6, s28  }
0x25: {  	[dreg:$0x18] =	wrdreg s0;
	s0 =	sadd.s32 $0x2000, s22;
	s22 =	simm.s32 $0x16980  }
.LBB2_1:
0x26: {  	s11 =	rddreg [dreg:$0x5]  }
0x27: {  	[tilespmem:s15], [sflag:$0x3] =	stream.linear.gather [hbm4b:s11+s3], $0x4000, $0x38;
	[tilespmem:$0x1EA00] =	vst v63  }
0x28: {  	_ =	swait.ge [sflag:s16], $0x4000  }
0x29: {  	[sflag:s16] =	ssyncset.done $0x0  }
0x2a: {  	[sflag:s16] =	ssyncadd.s32 $0xFFFFC000  }
0x2b: {  	[tilespmem:s18], [sflag:$0x3] =	stream.linear.gather [hbm4b:s10+s3], $0x80, $0x38;
	[tilespmem:$0x1EA00] =	vst v63  }
0x2c: {  	_ =	swait.ge [sflag:s16], $0x80  }
0x2d: {  	[sflag:s16] =	ssyncset.done $0x0  }
0x2e: {  	[sflag:s16] =	ssyncadd.s32 $0xFFFFFF80  }
0x2f: {  	[spmem:s1] =	stream.indirect.scatter [tilespmem:s15], [sflag:$0x3], $0x80, s18, s19, $0xb8;
	[tilespmem:$0x1EA00] =	vst v63  }
0x30: {  	_ =	swait.ge [sflag:s16], $0x4000  }
0x31: {  	[sflag:s16] =	ssyncset.done $0x0  }
0x32: {  	s29 =	rddreg [dreg:$0x1a];
	[sflag:s16] =	ssyncadd.s32 $0xFFFFC000  }
0x33: {  	[tilespmem:s18], [sflag:$0x3] =	stream.linear.gather [hbm4b:s29+s3], $0x80, $0x38;
	[tilespmem:$0x1EA00] =	vst v63  }
0x34: {  	_ =	swait.ge [sflag:s16], $0x80  }
0x35: {  	[sflag:s16] =	ssyncset.done $0x0  }
0x36: {  	[sflag:s16] =	ssyncadd.s32 $0xFFFFFF80  }
0x37: {  	[spmem:s1] =	stream.indirect.scatter [tilespmem:s15], [sflag:$0x3], $0x80, s18, s19, $0xb8;
	[tilespmem:$0x1EA00] =	vst v63  }
0x38: {  	_ =	swait.ge [sflag:s16], $0x4000  }
0x39: {  	[sflag:s16] =	ssyncset.done $0x0  }
0x3a: {  	[sflag:s16] =	ssyncadd.s32 $0xFFFFC000  }
0x3b: {  	[tilespmem:s18], [sflag:$0x3] =	stream.linear.gather [hbm4b:s12+s3], $0x80, $0x38;
	[tilespmem:$0x1EA00] =	vst v63  }
0x3c: {  	_ =	swait.ge [sflag:s16], $0x80  }
0x3d: {  	[sflag:s16] =	ssyncset.done $0x0  }
0x3e: {  	[sflag:s16] =	ssyncadd.s32 $0xFFFFFF80  }
0x3f: {  	[spmem:s1] =	stream.indirect.scatter [tilespmem:s15], [sflag:$0x3], $0x80, s18, s19, $0xb8;
	[tilespmem:$0x1EA00] =	vst v63  }
0x40: {  	_ =	swait.ge [sflag:s16], $0x4000  }
0x41: {  	[sflag:s16] =	ssyncset.done $0x0  }
0x42: {  	[sflag:s16] =	ssyncadd.s32 $0xFFFFC000  }
0x43: {  	[tilespmem:s18], [sflag:$0x3] =	stream.linear.gather [hbm4b:s13+s3], $0x80, $0x38;
	[tilespmem:$0x1EA00] =	vst v63  }
0x44: {  	_ =	swait.ge [sflag:s16], $0x80  }
0x45: {  	[sflag:s16] =	ssyncset.done $0x0  }
0x46: {  	[sflag:s16] =	ssyncadd.s32 $0xFFFFFF80  }
0x47: {  	[spmem:s1] =	stream.indirect.scatter [tilespmem:s15], [sflag:$0x3], $0x80, s18, s19, $0xb8;
	[tilespmem:$0x1EA00] =	vst v63  }
0x48: {  	_ =	swait.ge [sflag:s16], $0x4000  }
0x49: {  	[sflag:s16] =	ssyncset.done $0x0  }
0x4a: {  	[sflag:s16] =	ssyncadd.s32 $0xFFFFC000  }
0x4b: {  	[tilespmem:s18], [sflag:$0x3] =	stream.linear.gather [hbm4b:s14+s3], $0x80, $0x38;
	[tilespmem:$0x1EA00] =	vst v63  }
0x4c: {  	_ =	swait.ge [sflag:s16], $0x80  }
0x4d: {  	[sflag:s16] =	ssyncset.done $0x0  }
0x4e: {  	[sflag:s16] =	ssyncadd.s32 $0xFFFFFF80  }
0x4f: {  	[spmem:s1] =	stream.indirect.scatter [tilespmem:s15], [sflag:$0x3], $0x80, s18, s19, $0xb8;
	[tilespmem:$0x1EA00] =	vst v63  }
0x50: {  	_ =	swait.ge [sflag:s16], $0x4000  }
0x51: {  	[sflag:s16] =	ssyncset.done $0x0  }
0x52: {  	[sflag:s16] =	ssyncadd.s32 $0xFFFFC000  }
0x53: {  	[tilespmem:s18], [sflag:$0x3] =	stream.linear.gather [hbm4b:s6+s3], $0x80, $0x38;
	[tilespmem:$0x1EA00] =	vst v63  }
0x54: {  	_ =	swait.ge [sflag:s16], $0x80  }
0x55: {  	[sflag:s16] =	ssyncset.done $0x0  }
0x56: {  	[sflag:s16] =	ssyncadd.s32 $0xFFFFFF80  }
0x57: {  	[spmem:s2] =	stream.indirect.scatter [tilespmem:s15], [sflag:$0x3], $0x80, s18, s19, $0xb8;
	[tilespmem:$0x1EA00] =	vst v63  }
0x58: {  	_ =	swait.ge [sflag:s16], $0x4000  }
0x59: {  	[sflag:s16] =	ssyncset.done $0x0  }
0x5a: {  	s31 =	rddreg [dreg:$0xc];
	[sflag:s16] =	ssyncadd.s32 $0xFFFFC000  }
0x5b: {  	[tilespmem:s18], [sflag:$0x3] =	stream.linear.gather [hbm4b:s31+s3], $0x80, $0x38;
	[tilespmem:$0x1EA00] =	vst v63  }
0x5c: {  	_ =	swait.ge [sflag:s16], $0x80  }
0x5d: {  	[sflag:s16] =	ssyncset.done $0x0  }
0x5e: {  	[sflag:s16] =	ssyncadd.s32 $0xFFFFFF80  }
0x5f: {  	[spmem:s2] =	stream.indirect.scatter [tilespmem:s15], [sflag:$0x3], $0x80, s18, s19, $0xb8;
	[tilespmem:$0x1EA00] =	vst v63  }
0x60: {  	_ =	swait.ge [sflag:s16], $0x4000  }
0x61: {  	[sflag:s16] =	ssyncset.done $0x0  }
0x62: {  	s29 =	rddreg [dreg:$0xd];
	[sflag:s16] =	ssyncadd.s32 $0xFFFFC000  }
0x63: {  	[tilespmem:s18], [sflag:$0x3] =	stream.linear.gather [hbm4b:s29+s3], $0x80, $0x38;
	[tilespmem:$0x1EA00] =	vst v63  }
0x64: {  	_ =	swait.ge [sflag:s16], $0x80  }
0x65: {  	[sflag:s16] =	ssyncset.done $0x0  }
0x66: {  	[sflag:s16] =	ssyncadd.s32 $0xFFFFFF80  }
0x67: {  	[spmem:s2] =	stream.indirect.scatter [tilespmem:s15], [sflag:$0x3], $0x80, s18, s19, $0xb8;
	[tilespmem:$0x1EA00] =	vst v63  }
0x68: {  	_ =	swait.ge [sflag:s16], $0x4000  }
0x69: {  	[sflag:s16] =	ssyncset.done $0x0  }
0x6a: {  	s31 =	rddreg [dreg:$0xe];
	[sflag:s16] =	ssyncadd.s32 $0xFFFFC000  }
0x6b: {  	[tilespmem:s18], [sflag:$0x3] =	stream.linear.gather [hbm4b:s31+s3], $0x80, $0x38;
	[tilespmem:$0x1EA00] =	vst v63  }
0x6c: {  	_ =	swait.ge [sflag:s16], $0x80  }
0x6d: {  	[sflag:s16] =	ssyncset.done $0x0  }
0x6e: {  	[sflag:s16] =	ssyncadd.s32 $0xFFFFFF80  }
0x6f: {  	[spmem:s2] =	stream.indirect.scatter [tilespmem:s15], [sflag:$0x3], $0x80, s18, s19, $0xb8;
	[tilespmem:$0x1EA00] =	vst v63  }
0x70: {  	_ =	swait.ge [sflag:s16], $0x4000  }
0x71: {  	[sflag:s16] =	ssyncset.done $0x0  }
0x72: {  	s29 =	rddreg [dreg:$0xf];
	[sflag:s16] =	ssyncadd.s32 $0xFFFFC000  }
0x73: {  	[tilespmem:s18], [sflag:$0x3] =	stream.linear.gather [hbm4b:s29+s3], $0x80, $0x38;
	[tilespmem:$0x1EA00] =	vst v63  }
0x74: {  	_ =	swait.ge [sflag:s16], $0x80  }
0x75: {  	[sflag:s16] =	ssyncset.done $0x0  }
0x76: {  	[sflag:s16] =	ssyncadd.s32 $0xFFFFFF80  }
0x77: {  	[spmem:s2] =	stream.indirect.scatter [tilespmem:s15], [sflag:$0x3], $0x80, s18, s19, $0xb8;
	[tilespmem:$0x1EA00] =	vst v63  }
0x78: {  	_ =	swait.ge [sflag:s16], $0x4000  }
0x79: {  	[sflag:s16] =	ssyncset.done $0x0  }
0x7a: {  	s31 =	rddreg [dreg:$0x10];
	[sflag:s16] =	ssyncadd.s32 $0xFFFFC000  }
0x7b: {  	[tilespmem:s18], [sflag:$0x3] =	stream.linear.gather [hbm4b:s31+s3], $0x80, $0x38;
	[tilespmem:$0x1EA00] =	vst v63  }
0x7c: {  	_ =	swait.ge [sflag:s16], $0x80  }
0x7d: {  	[sflag:s16] =	ssyncset.done $0x0  }
0x7e: {  	[sflag:s16] =	ssyncadd.s32 $0xFFFFFF80  }
0x7f: {  	[spmem:s2] =	stream.indirect.scatter [tilespmem:s15], [sflag:$0x3], $0x80, s18, s19, $0xb8;
	[tilespmem:$0x1EA00] =	vst v63  }
0x80: {  	_ =	swait.ge [sflag:s16], $0x4000  }
0x81: {  	[sflag:s16] =	ssyncset.done $0x0  }
0x82: {  	s29 =	rddreg [dreg:$0x11];
	[sflag:s16] =	ssyncadd.s32 $0xFFFFC000  }
0x83: {  	[tilespmem:s18], [sflag:$0x3] =	stream.linear.gather [hbm4b:s29+s3], $0x80, $0x38;
	[tilespmem:$0x1EA00] =	vst v63  }
0x84: {  	_ =	swait.ge [sflag:s16], $0x80  }
0x85: {  	[sflag:s16] =	ssyncset.done $0x0  }
0x86: {  	[sflag:s16] =	ssyncadd.s32 $0xFFFFFF80  }
0x87: {  	[spmem:s2] =	stream.indirect.scatter [tilespmem:s15], [sflag:$0x3], $0x80, s18, s19, $0xb8;
	[tilespmem:$0x1EA00] =	vst v63  }
0x88: {  	_ =	swait.ge [sflag:s16], $0x4000  }
0x89: {  	[sflag:s16] =	ssyncset.done $0x0  }
0x8a: {  	s31 =	rddreg [dreg:$0x12];
	[sflag:s16] =	ssyncadd.s32 $0xFFFFC000  }
0x8b: {  	[tilespmem:s18], [sflag:$0x3] =	stream.linear.gather [hbm4b:s31+s3], $0x80, $0x38;
	[tilespmem:$0x1EA00] =	vst v63  }
0x8c: {  	_ =	swait.ge [sflag:s16], $0x80  }
0x8d: {  	[sflag:s16] =	ssyncset.done $0x0  }
0x8e: {  	[sflag:s16] =	ssyncadd.s32 $0xFFFFFF80  }
0x8f: {  	[spmem:s2] =	stream.indirect.scatter [tilespmem:s15], [sflag:$0x3], $0x80, s18, s19, $0xb8;
	[tilespmem:$0x1EA00] =	vst v63  }
0x90: {  	_ =	swait.ge [sflag:s16], $0x4000  }
0x91: {  	[sflag:s16] =	ssyncset.done $0x0  }
0x92: {  	s29 =	rddreg [dreg:$0x13];
	[sflag:s16] =	ssyncadd.s32 $0xFFFFC000  }
0x93: {  	[tilespmem:s18], [sflag:$0x3] =	stream.linear.gather [hbm4b:s29+s3], $0x80, $0x38;
	[tilespmem:$0x1EA00] =	vst v63  }
0x94: {  	_ =	swait.ge [sflag:s16], $0x80  }
0x95: {  	[sflag:s16] =	ssyncset.done $0x0  }
0x96: {  	[sflag:s16] =	ssyncadd.s32 $0xFFFFFF80  }
0x97: {  	[spmem:s2] =	stream.indirect.scatter [tilespmem:s15], [sflag:$0x3], $0x80, s18, s19, $0xb8;
	[tilespmem:$0x1EA00] =	vst v63  }
0x98: {  	_ =	swait.ge [sflag:s16], $0x4000  }
0x99: {  	[sflag:s16] =	ssyncset.done $0x0  }
0x9a: {  	s31 =	rddreg [dreg:$0x14];
	[sflag:s16] =	ssyncadd.s32 $0xFFFFC000  }
0x9b: {  	[tilespmem:s18], [sflag:$0x3] =	stream.linear.gather [hbm4b:s31+s3], $0x80, $0x38;
	[tilespmem:$0x1EA00] =	vst v63  }
0x9c: {  	_ =	swait.ge [sflag:s16], $0x80  }
0x9d: {  	[sflag:s16] =	ssyncset.done $0x0  }
0x9e: {  	[sflag:s16] =	ssyncadd.s32 $0xFFFFFF80  }
0x9f: {  	[spmem:s2] =	stream.indirect.scatter [tilespmem:s15], [sflag:$0x3], $0x80, s18, s19, $0xb8;
	[tilespmem:$0x1EA00] =	vst v63  }
0xa0: {  	_ =	swait.ge [sflag:s16], $0x4000  }
0xa1: {  	[sflag:s16] =	ssyncset.done $0x0  }
0xa2: {  	[sflag:s16] =	ssyncadd.s32 $0xFFFFC000  }
0xa3: {  	s28 =	sadd.s32 $0x0, s9;
	[bflag:$0x0] =	sbarrier.arrive $0xFFFF  }
0xa4: {  	[tilespmem:s20], [sflag:$0x3] =	stream.linear.gather [hbm4b:s28+s3], $0x80, $0x38;
	[tilespmem:$0x1EA00] =	vst v63  }
0xa5: {  	_ =	swait.ge [sflag:s16], $0x80  }
0xa6: {  	[sflag:s16] =	ssyncset.done $0x0  }
0xa7: {  	s28 =	sadd.s32 $0x0, s7;
	[sflag:s16] =	ssyncadd.s32 $0xFFFFFF80  }
0xa8: {  	[tilespmem:s18], [sflag:$0x3] =	stream.linear.gather [hbm4b:s28+s3], $0x80, $0x38;
	[tilespmem:$0x1EA00] =	vst v63  }
0xa9: {  	_ =	swait.ge [sflag:s16], $0x80  }
0xaa: {  	[sflag:s16] =	ssyncset.done $0x0  }
0xab: {  	s28 =	sadd.s32 $0x0, s4;
	[sflag:s16] =	ssyncadd.s32 $0xFFFFFF80  }
0xac: {  	[tilespmem:s21], [sflag:$0x3] =	stream.linear.gather [hbm4b:s28+s3], $0x80, $0x38;
	[tilespmem:$0x1EA00] =	vst v63  }
0xad: {  	_ =	swait.ge [sflag:s16], $0x80  }
0xae: {  	[sflag:s16] =	ssyncset.done $0x0  }
0xaf: {  	s28 =	sadd.s32 $0x0, s0;
	[sflag:s16] =	ssyncadd.s32 $0xFFFFFF80  }
0xb0: {  	[tilespmem:s22], [sflag:$0x3] =	stream.linear.gather [hbm4b:s28+s3], $0x80, $0x38;
	[tilespmem:$0x1EA00] =	vst v63  }
0xb1: {  	_ =	swait.ge [sflag:s16], $0x80  }
0xb2: {  	[sflag:s16] =	ssyncset.done $0x0  }
0xb3: {  	[sflag:s16] =	ssyncadd.s32 $0xFFFFFF80  }
0xb4: {  	[tilespmem:s15], [sflag:$0x1] =	stream.indirect.gather [hbm4b:s5+s19], $0x80, s20, s19, $0xb8;
	[tilespmem:$0x1EA00] =	vst v63  }
0xb5: {  	_ = 	snop  }
0xb6: {  	[tilespmem:s23], [sflag:$0x2] =	stream.indirect.gather [hbm4b:s8+s19], $0x80, s22, s19, $0xb8;
	[tilespmem:$0x1EA00] =	vst v63  }
0xb7: {  	_ =	swait.ge [sflag:s24], $0x4000  }
0xb8: {  	[sflag:s24] =	ssyncset.done $0x0  }
0xb9: {  	[sflag:s24] =	ssyncadd.s32 $0xFFFFC000  }
0xba: {  	_ =	swait.ge [sflag:s25], $0x4000  }
0xbb: {  	[sflag:s25] =	ssyncset.done $0x0  }
0xbc: {  	[sflag:s25] =	ssyncadd.s32 $0xFFFFC000  }
0xbd: {  	[spmem:s1] =	stream.indirect.scatter.add.f32 [tilespmem:s15], [sflag:$0x1], $0x80, s18, s19, $0xb8;
	[tilespmem:$0x1EA00] =	vst v63  }
0xbe: {  	_ = 	snop  }
0xbf: {  	[spmem:s2] =	stream.indirect.scatter.add.f32 [tilespmem:s23], [sflag:$0x2], $0x80, s21, s19, $0xb8;
	[tilespmem:$0x1EA00] =	vst v63  }
0xc0: {  	_ =	swait.ge [sflag:s24], $0x4000  }
0xc1: {  	[sflag:s24] =	ssyncset.done $0x0  }
0xc2: {  	[sflag:s24] =	ssyncadd.s32 $0xFFFFC000  }
0xc3: {  	_ =	swait.ge [sflag:s25], $0x4000  }
0xc4: {  	s30 =	simm.s32 $0x20;
	s28 =	simm.s32 $0x10;
	[sflag:s25] =	ssyncset.done $0x0  }
.LBB2_2:
0xc5: {  	s31 =	sadd.s32 s28, s9  }
0xc6: {  	[sflag:s25] =	ssyncadd.s32 $0xFFFFC000;
	s11 =	smov.u32 s30;
	s29 =	sadd.s32 $0x10, s30  }
0xc7: {  	[tilespmem:s20], [sflag:$0x3] =	stream.linear.gather [hbm4b:s31+s3], $0x80, $0x38;
	[tilespmem:$0x1EA00] =	vst v63  }
0xc8: {  	p0 =	sne.s32 s30, $0x270;
	_ =	swait.ge [sflag:s16], $0x80  }
0xc9: {  	[sflag:s16] =	ssyncset.done $0x0  }
0xca: {  	s30 =	sadd.s32 s28, s7;
	[sflag:s16] =	ssyncadd.s32 $0xFFFFFF80  }
0xcb: {  	[tilespmem:s18], [sflag:$0x3] =	stream.linear.gather [hbm4b:s30+s3], $0x80, $0x38;
	[tilespmem:$0x1EA00] =	vst v63  }
0xcc: {  	_ =	swait.ge [sflag:s16], $0x80  }
0xcd: {  	[sflag:s16] =	ssyncset.done $0x0  }
0xce: {  	s30 =	sadd.s32 s28, s4;
	[sflag:s16] =	ssyncadd.s32 $0xFFFFFF80  }
0xcf: {  	[tilespmem:s21], [sflag:$0x3] =	stream.linear.gather [hbm4b:s30+s3], $0x80, $0x38;
	[tilespmem:$0x1EA00] =	vst v63  }
0xd0: {  	_ =	swait.ge [sflag:s16], $0x80  }
0xd1: {  	[sflag:s16] =	ssyncset.done $0x0  }
0xd2: {  	s30 =	sadd.s32 s28, s0;
	s28 =	smov.u32 s11;
	[sflag:s16] =	ssyncadd.s32 $0xFFFFFF80  }
0xd3: {  	[tilespmem:s22], [sflag:$0x3] =	stream.linear.gather [hbm4b:s30+s3], $0x80, $0x38;
	[tilespmem:$0x1EA00] =	vst v63  }
0xd4: {  	_ =	swait.ge [sflag:s16], $0x80  }
0xd5: {  	[sflag:s16] =	ssyncset.done $0x0  }
0xd6: {  	[sflag:s16] =	ssyncadd.s32 $0xFFFFFF80  }
0xd7: {  	[tilespmem:s15], [sflag:$0x1] =	stream.indirect.gather [hbm4b:s5+s19], $0x80, s20, s19, $0xb8;
	[tilespmem:$0x1EA00] =	vst v63  }
0xd8: {  	_ = 	snop  }
0xd9: {  	[tilespmem:s23], [sflag:$0x2] =	stream.indirect.gather [hbm4b:s8+s19], $0x80, s22, s19, $0xb8;
	[tilespmem:$0x1EA00] =	vst v63  }
0xda: {  	_ =	swait.ge [sflag:s24], $0x4000  }
0xdb: {  	[sflag:s24] =	ssyncset.done $0x0  }
0xdc: {  	[sflag:s24] =	ssyncadd.s32 $0xFFFFC000  }
0xdd: {  	_ =	swait.ge [sflag:s25], $0x4000  }
0xde: {  	[sflag:s25] =	ssyncset.done $0x0  }
0xdf: {  	[sflag:s25] =	ssyncadd.s32 $0xFFFFC000  }
0xe0: {  	[spmem:s1] =	stream.indirect.scatter.add.f32 [tilespmem:s15], [sflag:$0x1], $0x80, s18, s19, $0xb8;
	[tilespmem:$0x1EA00] =	vst v63  }
0xe1: {  	_ = 	snop  }
0xe2: {  	[spmem:s2] =	stream.indirect.scatter.add.f32 [tilespmem:s23], [sflag:$0x2], $0x80, s21, s19, $0xb8;
	[tilespmem:$0x1EA00] =	vst v63  }
.Ltmp0:
0xe3: {  	_ =	swait.ge [sflag:s24], $0x4000;
	(pc) =	sbr.rel @p0 .LBB2_2-.Ltmp0, $4  }
0xe4: {  	[sflag:s24] =	ssyncset.done $0x0  }
0xe5: {  	[sflag:s24] =	ssyncadd.s32 $0xFFFFC000  }
0xe6: {  	_ =	swait.ge [sflag:s25], $0x4000  }
0xe7: {  	s30 =	smov.u32 s29;
	[sflag:s25] =	ssyncset.done $0x0  }
0xe8: {  	s11 =	sadd.s32 s28, s9;
	[sflag:s25] =	ssyncadd.s32 $0xFFFFC000  }
0xe9: {  	[tilespmem:s20], [sflag:$0x3] =	stream.linear.gather [hbm4b:s11+s3], $0x80, $0x38;
	[tilespmem:$0x1EA00] =	vst v63  }
0xea: {  	_ =	swait.ge [sflag:s16], $0x80  }
0xeb: {  	[sflag:s16] =	ssyncset.done $0x0  }
0xec: {  	s31 =	sadd.s32 s28, s7;
	[sflag:s16] =	ssyncadd.s32 $0xFFFFFF80  }
0xed: {  	[tilespmem:s18], [sflag:$0x3] =	stream.linear.gather [hbm4b:s31+s3], $0x80, $0x38;
	[tilespmem:$0x1EA00] =	vst v63  }
0xee: {  	_ =	swait.ge [sflag:s16], $0x80  }
0xef: {  	[sflag:s16] =	ssyncset.done $0x0  }
0xf0: {  	s31 =	sadd.s32 s28, s4;
	[sflag:s16] =	ssyncadd.s32 $0xFFFFFF80  }
0xf1: {  	[tilespmem:s21], [sflag:$0x3] =	stream.linear.gather [hbm4b:s31+s3], $0x80, $0x38;
	[tilespmem:$0x1EA00] =	vst v63  }
0xf2: {  	_ =	swait.ge [sflag:s16], $0x80  }
0xf3: {  	[sflag:s16] =	ssyncset.done $0x0  }
0xf4: {  	s31 =	sadd.s32 s28, s0;
	[sflag:s16] =	ssyncadd.s32 $0xFFFFFF80  }
0xf5: {  	[tilespmem:s22], [sflag:$0x3] =	stream.linear.gather [hbm4b:s31+s3], $0x80, $0x38;
	[tilespmem:$0x1EA00] =	vst v63  }
0xf6: {  	_ =	swait.ge [sflag:s16], $0x80  }
0xf7: {  	[sflag:s16] =	ssyncset.done $0x0  }
0xf8: {  	[sflag:s16] =	ssyncadd.s32 $0xFFFFFF80  }
0xf9: {  	[tilespmem:s15], [sflag:$0x1] =	stream.indirect.gather [hbm4b:s5+s19], $0x80, s20, s19, $0xb8;
	[tilespmem:$0x1EA00] =	vst v63  }
0xfa: {  	_ = 	snop  }
0xfb: {  	[tilespmem:s23], [sflag:$0x2] =	stream.indirect.gather [hbm4b:s8+s19], $0x80, s22, s19, $0xb8;
	[tilespmem:$0x1EA00] =	vst v63  }
0xfc: {  	_ =	swait.ge [sflag:s24], $0x4000  }
0xfd: {  	[sflag:s24] =	ssyncset.done $0x0  }
0xfe: {  	[sflag:s24] =	ssyncadd.s32 $0xFFFFC000  }
0xff: {  	_ =	swait.ge [sflag:s25], $0x4000  }
0x100: {  	[sflag:s25] =	ssyncset.done $0x0  }
0x101: {  	[sflag:s25] =	ssyncadd.s32 $0xFFFFC000  }
0x102: {  	[spmem:s1] =	stream.indirect.scatter.add.f32 [tilespmem:s15], [sflag:$0x1], $0x80, s18, s19, $0xb8;
	[tilespmem:$0x1EA00] =	vst v63  }
0x103: {  	_ = 	snop  }
0x104: {  	[spmem:s2] =	stream.indirect.scatter.add.f32 [tilespmem:s23], [sflag:$0x2], $0x80, s21, s19, $0xb8;
	[tilespmem:$0x1EA00] =	vst v63  }
0x105: {  	_ =	swait.ge [sflag:s24], $0x4000  }
0x106: {  	[sflag:s24] =	ssyncset.done $0x0  }
0x107: {  	[sflag:s24] =	ssyncadd.s32 $0xFFFFC000  }
0x108: {  	_ =	swait.ge [sflag:s25], $0x4000  }
0x109: {  	[sflag:s25] =	ssyncset.done $0x0  }
0x10a: {  	[sflag:s25] =	ssyncadd.s32 $0xFFFFC000  }
0x10b: {  	[bflag:$0x0] =	sbarrier.arrive $0xFFFF  }
0x10c: {  	s31 =	simm.s32 $0x0;
	s28 =	rddreg [dreg:$0x15]  }
0x10d: {  	[tilespmem:s18], [sflag:$0x3] =	stream.linear.gather [hbm4b:s28+s31], $0x80, $0x38;
	[tilespmem:$0x1EA00] =	vst v63  }
0x10e: {  	_ =	swait.ge [sflag:s16], $0x80  }
0x10f: {  	[sflag:s16] =	ssyncset.done $0x0  }
0x110: {  	[sflag:s16] =	ssyncadd.s32 $0xFFFFFF80  }
0x111: {  	[tilespmem:s15], [sflag:$0x1] =	stream.indirect.gather [spmem:s1], $0x80, s18, s19, $0xb8;
	[tilespmem:$0x1EA00] =	vst v63  }
0x112: {  	_ =	swait.ge [sflag:s24], $0x4000  }
0x113: {  	[sflag:s24] =	ssyncset.done $0x0  }
0x114: {  	s28 =	rddreg [dreg:$0x7];
	[sflag:s24] =	ssyncadd.s32 $0xFFFFC000  }
0x115: {  	[hbm4b:s28+s31] =	stream.linear.scatter [tilespmem:s15], [sflag:$0x3], $0x4000, $0x38;
	[tilespmem:$0x1EA00] =	vst v63  }
0x116: {  	_ =	swait.ge [sflag:s16], $0x4000  }
0x117: {  	[sflag:s16] =	ssyncset.done $0x0  }
0x118: {  	s28 =	rddreg [dreg:$0x16];
	[sflag:s16] =	ssyncadd.s32 $0xFFFFC000  }
0x119: {  	[tilespmem:s18], [sflag:$0x3] =	stream.linear.gather [hbm4b:s28+s31], $0x80, $0x38;
	[tilespmem:$0x1EA00] =	vst v63  }
0x11a: {  	_ =	swait.ge [sflag:s16], $0x80  }
0x11b: {  	[sflag:s16] =	ssyncset.done $0x0  }
0x11c: {  	[sflag:s16] =	ssyncadd.s32 $0xFFFFFF80  }
0x11d: {  	[tilespmem:s15], [sflag:$0x1] =	stream.indirect.gather [spmem:s1], $0x80, s18, s19, $0xb8;
	[tilespmem:$0x1EA00] =	vst v63  }
0x11e: {  	_ =	swait.ge [sflag:s24], $0x4000  }
0x11f: {  	[sflag:s24] =	ssyncset.done $0x0  }
0x120: {  	s28 =	rddreg [dreg:$0x8];
	[sflag:s24] =	ssyncadd.s32 $0xFFFFC000  }
0x121: {  	[hbm4b:s28+s31] =	stream.linear.scatter [tilespmem:s15], [sflag:$0x3], $0x4000, $0x38;
	[tilespmem:$0x1EA00] =	vst v63  }
0x122: {  	_ =	swait.ge [sflag:s16], $0x4000  }
0x123: {  	[sflag:s16] =	ssyncset.done $0x0  }
0x124: {  	s28 =	rddreg [dreg:$0x17];
	[sflag:s16] =	ssyncadd.s32 $0xFFFFC000  }
0x125: {  	[tilespmem:s18], [sflag:$0x3] =	stream.linear.gather [hbm4b:s28+s31], $0x80, $0x38;
	[tilespmem:$0x1EA00] =	vst v63  }
0x126: {  	_ =	swait.ge [sflag:s16], $0x80  }
0x127: {  	[sflag:s16] =	ssyncset.done $0x0  }
0x128: {  	[sflag:s16] =	ssyncadd.s32 $0xFFFFFF80  }
0x129: {  	[tilespmem:s15], [sflag:$0x1] =	stream.indirect.gather [spmem:s1], $0x80, s18, s19, $0xb8;
	[tilespmem:$0x1EA00] =	vst v63  }
0x12a: {  	_ =	swait.ge [sflag:s24], $0x4000  }
0x12b: {  	[sflag:s24] =	ssyncset.done $0x0  }
0x12c: {  	s28 =	rddreg [dreg:$0x9];
	[sflag:s24] =	ssyncadd.s32 $0xFFFFC000  }
0x12d: {  	[hbm4b:s28+s31] =	stream.linear.scatter [tilespmem:s15], [sflag:$0x3], $0x4000, $0x38;
	[tilespmem:$0x1EA00] =	vst v63  }
0x12e: {  	_ =	swait.ge [sflag:s16], $0x4000  }
0x12f: {  	[sflag:s16] =	ssyncset.done $0x0  }
0x130: {  	s28 =	rddreg [dreg:$0x18];
	[sflag:s16] =	ssyncadd.s32 $0xFFFFC000  }
0x131: {  	[tilespmem:s18], [sflag:$0x3] =	stream.linear.gather [hbm4b:s28+s31], $0x80, $0x38;
	[tilespmem:$0x1EA00] =	vst v63  }
0x132: {  	_ =	swait.ge [sflag:s16], $0x80  }
0x133: {  	[sflag:s16] =	ssyncset.done $0x0  }
0x134: {  	[sflag:s16] =	ssyncadd.s32 $0xFFFFFF80  }
0x135: {  	[tilespmem:s15], [sflag:$0x1] =	stream.indirect.gather [spmem:s1], $0x80, s18, s19, $0xb8;
	[tilespmem:$0x1EA00] =	vst v63  }
0x136: {  	_ =	swait.ge [sflag:s24], $0x4000  }
0x137: {  	[sflag:s24] =	ssyncset.done $0x0  }
0x138: {  	s28 =	rddreg [dreg:$0xa];
	[sflag:s24] =	ssyncadd.s32 $0xFFFFC000  }
0x139: {  	[hbm4b:s28+s31] =	stream.linear.scatter [tilespmem:s15], [sflag:$0x3], $0x4000, $0x38;
	[tilespmem:$0x1EA00] =	vst v63  }
0x13a: {  	_ =	swait.ge [sflag:s16], $0x4000  }
0x13b: {  	[sflag:s16] =	ssyncset.done $0x0  }
0x13c: {  	s28 =	rddreg [dreg:$0x19];
	[sflag:s16] =	ssyncadd.s32 $0xFFFFC000  }
0x13d: {  	[tilespmem:s18], [sflag:$0x3] =	stream.linear.gather [hbm4b:s28+s31], $0x80, $0x38;
	[tilespmem:$0x1EA00] =	vst v63  }
0x13e: {  	_ =	swait.ge [sflag:s16], $0x80  }
0x13f: {  	[sflag:s16] =	ssyncset.done $0x0  }
0x140: {  	[sflag:s16] =	ssyncadd.s32 $0xFFFFFF80  }
0x141: {  	[tilespmem:s15], [sflag:$0x1] =	stream.indirect.gather [spmem:s1], $0x80, s18, s19, $0xb8;
	[tilespmem:$0x1EA00] =	vst v63  }
0x142: {  	_ =	swait.ge [sflag:s24], $0x4000  }
0x143: {  	[sflag:s24] =	ssyncset.done $0x0  }
0x144: {  	s28 =	rddreg [dreg:$0xb];
	[sflag:s24] =	ssyncadd.s32 $0xFFFFC000  }
0x145: {  	[hbm4b:s28+s31] =	stream.linear.scatter [tilespmem:s15], [sflag:$0x3], $0x4000, $0x38;
	[tilespmem:$0x1EA00] =	vst v63  }
0x146: {  	_ =	swait.ge [sflag:s16], $0x4000  }
0x147: {  	[sflag:s16] =	ssyncset.done $0x0  }
0x148: {  	s31 =	sadd.s32 $0x0, s6;
	[sflag:s16] =	ssyncadd.s32 $0xFFFFC000  }
0x149: {  	[tilespmem:s18], [sflag:$0x3] =	stream.linear.gather [hbm4b:s31+s3], $0x80, $0x38;
	[tilespmem:$0x1EA00] =	vst v63  }
0x14a: {  	_ =	swait.ge [sflag:s16], $0x80  }
0x14b: {  	[sflag:s16] =	ssyncset.done $0x0  }
0x14c: {  	[sflag:s16] =	ssyncadd.s32 $0xFFFFFF80  }
0x14d: {  	[tilespmem:s15], [sflag:$0x1] =	stream.indirect.gather [spmem:s2], $0x80, s18, s19, $0xb8;
	[tilespmem:$0x1EA00] =	vst v63  }
0x14e: {  	_ =	swait.ge [sflag:s24], $0x4000  }
0x14f: {  	[sflag:s24] =	ssyncset.done $0x0  }
0x150: {  	[sflag:s24] =	ssyncadd.s32 $0xFFFFC000  }
0x151: {  	[hbm4b:s17+s3] =	stream.linear.scatter [tilespmem:s15], [sflag:$0x3], $0x4000, $0x38;
	[tilespmem:$0x1EA00] =	vst v63  }
0x152: {  	s29 =	simm.s32 $0x10;
	_ =	swait.ge [sflag:s16], $0x4000  }
0x153: {  	s30 =	simm.s32 $0x20;
	s28 =	sadd.s32 $0x800, s17;
	[sflag:s16] =	ssyncset.done $0x0  }
.LBB2_4:
0x154: {  	s11 =	sadd.s32 s29, s6  }
0x155: {  	[sflag:s16] =	ssyncadd.s32 $0xFFFFC000;
	s29 =	smov.u32 s30;
	s31 =	sadd.s32 $0x10, s30  }
0x156: {  	[tilespmem:s18], [sflag:$0x3] =	stream.linear.gather [hbm4b:s11+s3], $0x80, $0x38;
	[tilespmem:$0x1EA00] =	vst v63  }
0x157: {  	p0 =	sne.s32 s30, $0x90;
	_ =	swait.ge [sflag:s16], $0x80  }
0x158: {  	[sflag:s16] =	ssyncset.done $0x0  }
0x159: {  	[sflag:s16] =	ssyncadd.s32 $0xFFFFFF80  }
0x15a: {  	[tilespmem:s15], [sflag:$0x1] =	stream.indirect.gather [spmem:s2], $0x80, s18, s19, $0xb8;
	[tilespmem:$0x1EA00] =	vst v63  }
0x15b: {  	_ =	swait.ge [sflag:s24], $0x4000  }
.Ltmp1:
0x15c: {  	[sflag:s24] =	ssyncset.done $0x0;
	(pc) =	sbr.rel @p0 .LBB2_4-.Ltmp1, $4  }
0x15d: {  	[sflag:s24] =	ssyncadd.s32 $0xFFFFC000  }
0x15e: {  	[hbm4b:s28+s3] =	stream.linear.scatter [tilespmem:s15], [sflag:$0x3], $0x4000, $0x38;
	[tilespmem:$0x1EA00] =	vst v63  }
0x15f: {  	_ =	swait.ge [sflag:s16], $0x4000  }
0x160: {  	s30 =	smov.u32 s31;
	s28 =	sadd.s32 $0x800, s28;
	[sflag:s16] =	ssyncset.done $0x0  }
0x161: {  	s11 =	sadd.s32 s29, s6;
	[sflag:s16] =	ssyncadd.s32 $0xFFFFC000  }
0x162: {  	[tilespmem:s18], [sflag:$0x3] =	stream.linear.gather [hbm4b:s11+s3], $0x80, $0x38;
	[tilespmem:$0x1EA00] =	vst v63  }
0x163: {  	_ =	swait.ge [sflag:s16], $0x80  }
0x164: {  	[sflag:s16] =	ssyncset.done $0x0  }
0x165: {  	[sflag:s16] =	ssyncadd.s32 $0xFFFFFF80  }
0x166: {  	[tilespmem:s15], [sflag:$0x1] =	stream.indirect.gather [spmem:s2], $0x80, s18, s19, $0xb8;
	[tilespmem:$0x1EA00] =	vst v63  }
0x167: {  	_ =	swait.ge [sflag:s24], $0x4000  }
0x168: {  	[sflag:s24] =	ssyncset.done $0x0  }
0x169: {  	[sflag:s24] =	ssyncadd.s32 $0xFFFFC000  }
0x16a: {  	[hbm4b:s28+s3] =	stream.linear.scatter [tilespmem:s15], [sflag:$0x3], $0x4000, $0x38;
	[tilespmem:$0x1EA00] =	vst v63  }
0x16b: {  	_ =	swait.ge [sflag:s16], $0x4000  }
0x16c: {  	s26 =	sadd.s32 $0x1, s26;
	s31 =	rddreg [dreg:$0x6]  }
0x16d: {  	p0 =	sne.s32 s26, s31  }
.Ltmp2:
0x16e: {  	_ = 	snop;
	(pc) =	sbr.rel @p0 .LBB2_1-.Ltmp2, $3  }
0x16f: {  	_ =	sdelay $0x1  }
0x170: {  	[sflag:s16] =	ssyncset.done $0x0  }
0x171: {  	[sflag:s16] =	ssyncadd.s32 $0xFFFFC000  }
0x172: {  	_ =	sfence.sel $0x180000  }
0x173: {  	[bflag:$0x0] =	sbarrier.arrive $0xFFFF  }
0x174: {  	_ =	strace $0x90000047  }
0x175: {  	s0 =	stileid.u32;
	[bflag:$0x2] =	sbarrier.arrive $0xFFFF  }
0x176: {  	p0 =	sne.s32 s0, $0x0;
	s0 =	rddreg [dreg:$0x4]  }
0x177: {  	s0 =	sadd.s32 @!p0 $0x100000, s0  }
0x178: {  	[sflag:s0] =	ssyncadd.tile.s32 @!p0 $0x1;
	_ =	shalt  }
.Lfunc_end2:
_tile_overlayer_lowered:
.L_overlay_start_2:
0x179: {  	(tag) =	ssettag $0x2  }
0x17a: {  	s0 =	rddreg [dreg:$0x0];
	s2 =	stileid.u32  }
0x17b: {  	s1 =	rddreg [dreg:$0x1];
	p0 =	sne.s32 s2, $0x0  }
0x17c: {  	s3 =	rddreg [dreg:$0x2];
	[bflag:$0x3] =	sbarrier.arrive $0xFFFF;
	s2 =	simm.s32 @!p0 $0x1C03  }
0x17d: {  	[timem:s3], [sflag:s2] =	dma.local @!p0 [hbm:s0], s1  }
0x17e: {  	s0 =	simm.s32 @!p0 $0x3  }
0x17f: {  	_ =	swait.ge @!p0 [sflag:s0], s1  }
0x180: {  	s1 =	ssub.s32 @!p0 $0x0, s1;
	[sflag:s0] =	ssyncset.done @!p0 $0x0  }
0x181: {  	[sflag:s0] =	ssyncadd.s32 @!p0 s1  }
0x182: {  	[bflag:$0x3] =	sbarrier.arrive $0xFFFF  }
0x183: {  	_ =	shalt  }

</sc_bundles>
